<compile_context>
chip_gen: v7x
topology: tpu7x:2x2x1
jax: 0.10.2.dev20260603
libtpu: 0.0.44.dev20260713+nightly
codegen_flags: <defaults>
</compile_context>

<pallas_src>
import jax
import jax.numpy as jnp
from jax import lax
from jax.experimental import pallas as pl
from jax.experimental.pallas import tpu as pltpu
from jax.experimental.pallas import tpu_sc as plsc

N_CORES = 2
N_SUBCORES = 16
NW = N_CORES * N_SUBCORES
CHUNK = 100
G = 4
NBUF = 4


def _body(x_hbm, tgt_hbm, pos_hbm, out_hbm, pos_sh,
          idx0, idx1, idx2, idx3,
          rows0, rows1, rows2, rows3,
          isem0, isem1, isem2, isem3,
          gsem0, gsem1, gsem2, gsem3,
          osem0, osem1, osem2, osem3):
    cid = lax.axis_index("c")
    sid = lax.axis_index("s")
    wid = sid * N_CORES + cid
    nchunks = out_hbm.shape[0]
    nper = nchunks // NW
    base = wid * nper

    idx = (idx0, idx1, idx2, idx3)
    rows = (rows0, rows1, rows2, rows3)
    isem = (isem0, isem1, isem2, isem3)
    gsem = (gsem0, gsem1, gsem2, gsem3)
    osem = (osem0, osem1, osem2, osem3)

    @pl.when(sid == 0)
    def _():
        for r in range(G // 2):
            pltpu.sync_copy(pos_hbm, pos_sh.at[pl.ds(2 * r, 2)])

    plsc.subcore_barrier()

    def issue_in(b, j):
        pltpu.sync_copy(pos_sh, rows[b])
        pltpu.async_copy(x_hbm.at[pl.ds(j, G)], idx[b], isem[b])

    def fire(b, j):
        pltpu.make_async_copy(x_hbm.at[pl.ds(j, G)], idx[b], isem[b]).wait()
        for t in range(G):
            pltpu.async_copy(tgt_hbm.at[idx[b].at[t]], rows[b].at[t],
                             gsem[b], add=True)

    def drain(b, j):
        for t in range(G):
            pltpu.make_async_copy(tgt_hbm.at[idx[b].at[t]], rows[b].at[t],
                                  gsem[b]).wait()
        pltpu.async_copy(rows[b], out_hbm.at[pl.ds(j, G)], osem[b])

    def wait_out(b, j):
        pltpu.make_async_copy(rows[b], out_hbm.at[pl.ds(j, G)], osem[b]).wait()

    def round_fn(q, carry):
        j0 = base + NBUF * G * q
        for k in range(NBUF):
            jk = j0 + G * k

            @pl.when(q >= 1)
            def _(k=k, jk=jk):
                wait_out(k, jk - NBUF * G)

            issue_in(k, jk)

            if k >= 1:
                fire(k - 1, jk - G)
            else:
                @pl.when(q >= 1)
                def _(jk=jk):
                    fire(NBUF - 1, jk - G)
            if k >= 2:
                drain(k - 2, jk - 2 * G)
            else:
                @pl.when(q >= 1)
                def _(k=k, jk=jk):
                    drain((k - 2) % NBUF, jk - 2 * G)
        return carry

    lax.fori_loop(0, nper // (NBUF * G), round_fn, 0)

    end = base + nper
    fire(NBUF - 1, end - G)
    drain(NBUF - 2, end - 2 * G)
    drain(NBUF - 1, end - G)
    for k in range(NBUF):
        wait_out(k, end - (NBUF - k) * G)


def kernel(x, W_tgt, W_pos):
    B, S = x.shape
    D = W_tgt.shape[1]
    nch = S // CHUNK
    x2 = x.reshape(B * nch, CHUNK).astype(jnp.int32)
    pos2 = W_pos.reshape(nch, CHUNK, D)
    mesh = plsc.VectorSubcoreMesh(core_axis_name="c", subcore_axis_name="s")
    f = pl.kernel(
        _body,
        mesh=mesh,
        compiler_params=pltpu.CompilerParams(use_tc_tiling_on_sc=False),
        out_type=jax.ShapeDtypeStruct((B * nch, CHUNK, D), jnp.float32),
        scratch_types=(
            [pltpu.VMEM_SHARED((G, CHUNK, D), jnp.float32)]
            + [pltpu.VMEM((G, CHUNK), jnp.int32)] * NBUF
            + [pltpu.VMEM((G, CHUNK, D), jnp.float32)] * NBUF
            + [pltpu.SemaphoreType.DMA] * (3 * NBUF)
        ),
    )
    return f(x2, W_tgt, pos2).reshape(B, S, D)

# --- scband reference (transcript-rebuilt; emitter-appended) ---
"""Pipeline reference for scband-gflow-net-shared-embedding-12146167513386 (READ-ONLY COPY).

The authoritative reference and input builder live on the scoring server;
editing this copy changes nothing except your own understanding.
"""

import jax, jax.numpy as jnp
import numpy as np

N_VOCAB = 1000000
D_MODEL = 64
SEQLEN = 200
BATCH = 4096


def setup_inputs(seed: int = 0) -> dict:
    key = jax.random.key(seed)
    k1, k2, k3 = jax.random.split(key, 3)
    x = jax.random.randint(k1, (BATCH, SEQLEN), 0, N_VOCAB, dtype=jnp.int64 if jax.config.jax_enable_x64 else jnp.int32)
    std = 1.0 / (128 ** 0.5)
    W_tgt = jax.random.normal(k2, (N_VOCAB, D_MODEL), dtype=jnp.float32) * std
    W_pos = jax.random.normal(k3, (SEQLEN, D_MODEL), dtype=jnp.float32) * std
    return {"x": x, "W_tgt": W_tgt, "W_pos": W_pos}


def reference(x, W_tgt, W_pos):
    # token embedding lookup
    encoded_tgt = jnp.take(W_tgt, x, axis=0)
    # position ids: arange over last dim, broadcast to x's shape
    seq_length = x.shape[-1]
    position_ids = jnp.broadcast_to(jnp.arange(seq_length, dtype=x.dtype)[None, :], x.shape)
    encoded_tgt = encoded_tgt + jnp.take(W_pos, position_ids, axis=0)
    return encoded_tgt

if __name__ == "__main__":
    import jax
    _d = setup_inputs()
    print(jax.jit(kernel)(*tuple(_d.values())))

</pallas_src>

<mosaic_0001>
#map = affine_map<(d0, d1) -> (0, 0)>
#map1 = affine_map<(d0, d1) -> (0, 0, 0)>
module attributes {stable_mosaic.version = 14 : i64} {
  func.func @_body(%arg0: i32, %arg1: i32, %arg2: memref<8192x100xi32, #tpu.memory_space<hbm>>, %arg3: memref<1000000x64xf32, #tpu.memory_space<hbm>>, %arg4: memref<2x100x64xf32, #tpu.memory_space<hbm>>, %arg5: memref<8192x100x64xf32, #tpu.memory_space<hbm>>, %arg6: memref<4x100x64xf32, #tpu.memory_space<vmem_shared>>, %arg7: memref<4x100xi32, #tpu.memory_space<vmem>>, %arg8: memref<4x100xi32, #tpu.memory_space<vmem>>, %arg9: memref<4x100xi32, #tpu.memory_space<vmem>>, %arg10: memref<4x100xi32, #tpu.memory_space<vmem>>, %arg11: memref<4x100x64xf32, #tpu.memory_space<vmem>>, %arg12: memref<4x100x64xf32, #tpu.memory_space<vmem>>, %arg13: memref<4x100x64xf32, #tpu.memory_space<vmem>>, %arg14: memref<4x100x64xf32, #tpu.memory_space<vmem>>, %arg15: memref<!tpu.dma_semaphore, #tpu.memory_space<semaphore_mem>>, %arg16: memref<!tpu.dma_semaphore, #tpu.memory_space<semaphore_mem>>, %arg17: memref<!tpu.dma_semaphore, #tpu.memory_space<semaphore_mem>>, %arg18: memref<!tpu.dma_semaphore, #tpu.memory_space<semaphore_mem>>, %arg19: memref<!tpu.dma_semaphore, #tpu.memory_space<semaphore_mem>>, %arg20: memref<!tpu.dma_semaphore, #tpu.memory_space<semaphore_mem>>, %arg21: memref<!tpu.dma_semaphore, #tpu.memory_space<semaphore_mem>>, %arg22: memref<!tpu.dma_semaphore, #tpu.memory_space<semaphore_mem>>, %arg23: memref<!tpu.dma_semaphore, #tpu.memory_space<semaphore_mem>>, %arg24: memref<!tpu.dma_semaphore, #tpu.memory_space<semaphore_mem>>, %arg25: memref<!tpu.dma_semaphore, #tpu.memory_space<semaphore_mem>>, %arg26: memref<!tpu.dma_semaphore, #tpu.memory_space<semaphore_mem>>) attributes {dimension_semantics = [#tpu.dimension_semantics<core_parallel>, #tpu.dimension_semantics<subcore_parallel>], iteration_bounds = array<i64: 2, 16>, scalar_prefetch = 0 : i64, scratch_operands = 21 : i64, tpu.core_type = #tpu.core_type<sc_vector_subcore>, window_params = [{transform_indices = #map}, {transform_indices = #map}, {transform_indices = #map1}, {transform_indices = #map1}]} {
    %mul3A = arith.constant 2 : i32
    %mul3A_0 = arith.muli %arg1, %mul3A : i32
    %add3A = arith.addi %mul3A_0, %arg0 : i32
    %mul3A_1 = arith.constant 256 : i32
    %mul3A_2 = arith.muli %add3A, %mul3A_1 : i32
    %eq3A = arith.constant 0 : i32
    %eq3A_3 = arith.cmpi eq, %arg1, %eq3A : i32
    %convert_element_type3A = arith.extui %eq3A_3 : i1 to i32
    %cond3A = arith.constant 0 : i32
    %cond3A_4 = arith.cmpi ne, %convert_element_type3A, %cond3A : i32
    scf.if %cond3A_4 {
      "tpu.region"() ({
        %run_scoped3A = tpu.sem_alloc : memref<!tpu.dma_semaphore, #tpu.memory_space<semaphore_mem>>
        %dma_start3A_207 = arith.constant 0 : i32
        %dma_start3A_208 = arith.constant 0 : i32
        %dma_start3A_209 = arith.constant 0 : i32
        %dma_start3A_210 = tpu.memref_slice %arg6[%dma_start3A_207, %dma_start3A_208, %dma_start3A_209] : memref<4x100x64xf32, #tpu.memory_space<vmem_shared>> -> memref<2x100x64xf32, #tpu.memory_space<vmem_shared>>
        tpu.enqueue_dma source(%arg4 : memref<2x100x64xf32, #tpu.memory_space<hbm>>) target(%dma_start3A_210 : memref<2x100x64xf32, #tpu.memory_space<vmem_shared>>) target_semaphore(%run_scoped3A : memref<!tpu.dma_semaphore, #tpu.memory_space<semaphore_mem>>)
        %dma_wait3A_211 = arith.constant 0 : i32
        %dma_wait3A_212 = arith.constant 0 : i32
        %dma_wait3A_213 = arith.constant 0 : i32
        %dma_wait3A_214 = tpu.memref_slice %arg6[%dma_wait3A_211, %dma_wait3A_212, %dma_wait3A_213] : memref<4x100x64xf32, #tpu.memory_space<vmem_shared>> -> memref<2x100x64xf32, #tpu.memory_space<vmem_shared>>
        tpu.wait_dma2 semaphore(%run_scoped3A : memref<!tpu.dma_semaphore, #tpu.memory_space<semaphore_mem>>) src(%arg4 : memref<2x100x64xf32, #tpu.memory_space<hbm>>) dst(%dma_wait3A_214 : memref<2x100x64xf32, #tpu.memory_space<vmem_shared>>)
        tpu.yield
      }) : () -> ()
      "tpu.region"() ({
        %run_scoped3A = tpu.sem_alloc : memref<!tpu.dma_semaphore, #tpu.memory_space<semaphore_mem>>
        %dma_start3A_207 = arith.constant 2 : i32
        %dma_start3A_208 = arith.constant 0 : i32
        %dma_start3A_209 = arith.constant 0 : i32
        %dma_start3A_210 = tpu.memref_slice %arg6[%dma_start3A_207, %dma_start3A_208, %dma_start3A_209] : memref<4x100x64xf32, #tpu.memory_space<vmem_shared>> -> memref<2x100x64xf32, #tpu.memory_space<vmem_shared>>
        tpu.enqueue_dma source(%arg4 : memref<2x100x64xf32, #tpu.memory_space<hbm>>) target(%dma_start3A_210 : memref<2x100x64xf32, #tpu.memory_space<vmem_shared>>) target_semaphore(%run_scoped3A : memref<!tpu.dma_semaphore, #tpu.memory_space<semaphore_mem>>)
        %dma_wait3A_211 = arith.constant 2 : i32
        %dma_wait3A_212 = arith.constant 0 : i32
        %dma_wait3A_213 = arith.constant 0 : i32
        %dma_wait3A_214 = tpu.memref_slice %arg6[%dma_wait3A_211, %dma_wait3A_212, %dma_wait3A_213] : memref<4x100x64xf32, #tpu.memory_space<vmem_shared>> -> memref<2x100x64xf32, #tpu.memory_space<vmem_shared>>
        tpu.wait_dma2 semaphore(%run_scoped3A : memref<!tpu.dma_semaphore, #tpu.memory_space<semaphore_mem>>) src(%arg4 : memref<2x100x64xf32, #tpu.memory_space<hbm>>) dst(%dma_wait3A_214 : memref<2x100x64xf32, #tpu.memory_space<vmem_shared>>)
        tpu.yield
      }) : () -> ()
    } else {
    }
    %barrier3A = arith.constant 0 : index
    tpu.barrier barrier_id(%barrier3A)
    %scan3A = arith.constant 0 : i32
    %scan3A_5 = arith.constant 0 : i32
    %scan3A_6 = arith.constant 16 : i32
    %scan3A_7 = arith.addi %scan3A_5, %scan3A_6 : i32
    %scan3A_8 = arith.constant 1 : i32
    scf.for %scan3A_207 = %scan3A_5 to %scan3A_7 step %scan3A_8  : i32 {
      %mul3A_208 = arith.constant 16 : i32
      %mul3A_209 = arith.muli %mul3A_208, %scan3A_207 : i32
      %add3A_210 = arith.addi %mul3A_2, %mul3A_209 : i32
      %add3A_211 = arith.constant 0 : i32
      %add3A_212 = arith.addi %add3A_210, %add3A_211 : i32
      %ge3A = arith.constant 1 : i32
      %ge3A_213 = arith.cmpi sge, %scan3A_207, %ge3A : i32
      %convert_element_type3A_214 = arith.extui %ge3A_213 : i1 to i32
      %cond3A_215 = arith.constant 0 : i32
      %cond3A_216 = arith.cmpi ne, %convert_element_type3A_214, %cond3A_215 : i32
      scf.if %cond3A_216 {
        %sub3A_543 = arith.constant 16 : i32
        %sub3A_544 = arith.subi %add3A_212, %sub3A_543 : i32
        %dma_wait3A_545 = arith.constant 0 : i32
        %dma_wait3A_546 = arith.constant 0 : i32
        %dma_wait3A_547 = tpu.memref_slice %arg5[%sub3A_544, %dma_wait3A_545, %dma_wait3A_546] : memref<8192x100x64xf32, #tpu.memory_space<hbm>> -> memref<4x100x64xf32, #tpu.memory_space<hbm>>
        %dma_wait3A_548 = arith.constant 0 : i32
        %dma_wait3A_549 = arith.constant 0 : i32
        %dma_wait3A_550 = tpu.memref_slice %arg5[%sub3A_544, %dma_wait3A_548, %dma_wait3A_549] : memref<8192x100x64xf32, #tpu.memory_space<hbm>> -> memref<4x100x64xf32, #tpu.memory_space<hbm>>
        tpu.wait_dma2 semaphore(%arg23 : memref<!tpu.dma_semaphore, #tpu.memory_space<semaphore_mem>>) src(%arg11 : memref<4x100x64xf32, #tpu.memory_space<vmem>>) dst(%dma_wait3A_550 : memref<4x100x64xf32, #tpu.memory_space<hbm>>)
      } else {
      }
      "tpu.region"() ({
        %run_scoped3A = tpu.sem_alloc : memref<!tpu.dma_semaphore, #tpu.memory_space<semaphore_mem>>
        tpu.enqueue_dma source(%arg6 : memref<4x100x64xf32, #tpu.memory_space<vmem_shared>>) target(%arg11 : memref<4x100x64xf32, #tpu.memory_space<vmem>>) target_semaphore(%run_scoped3A : memref<!tpu.dma_semaphore, #tpu.memory_space<semaphore_mem>>)
        tpu.wait_dma2 semaphore(%run_scoped3A : memref<!tpu.dma_semaphore, #tpu.memory_space<semaphore_mem>>) src(%arg6 : memref<4x100x64xf32, #tpu.memory_space<vmem_shared>>) dst(%arg11 : memref<4x100x64xf32, #tpu.memory_space<vmem>>)
        tpu.yield
      }) : () -> ()
      %dma_start3A_217 = arith.constant 0 : i32
      %dma_start3A_218 = tpu.memref_slice %arg2[%add3A_212, %dma_start3A_217] : memref<8192x100xi32, #tpu.memory_space<hbm>> -> memref<4x100xi32, #tpu.memory_space<hbm>>
      %dma_start3A_219 = arith.constant 0 : i32
      %dma_start3A_220 = tpu.memref_slice %arg2[%add3A_212, %dma_start3A_219] : memref<8192x100xi32, #tpu.memory_space<hbm>> -> memref<4x100xi32, #tpu.memory_space<hbm>>
      tpu.enqueue_dma source(%dma_start3A_220 : memref<4x100xi32, #tpu.memory_space<hbm>>) target(%arg7 : memref<4x100xi32, #tpu.memory_space<vmem>>) target_semaphore(%arg15 : memref<!tpu.dma_semaphore, #tpu.memory_space<semaphore_mem>>)
      %ge3A_221 = arith.constant 1 : i32
      %ge3A_222 = arith.cmpi sge, %scan3A_207, %ge3A_221 : i32
      %convert_element_type3A_223 = arith.extui %ge3A_222 : i1 to i32
      %cond3A_224 = arith.constant 0 : i32
      %cond3A_225 = arith.cmpi ne, %convert_element_type3A_223, %cond3A_224 : i32
      scf.if %cond3A_225 {
        %sub3A_543 = arith.constant 4 : i32
        %sub3A_544 = arith.subi %add3A_212, %sub3A_543 : i32
        %dma_wait3A_545 = arith.constant 0 : i32
        %dma_wait3A_546 = tpu.memref_slice %arg2[%sub3A_544, %dma_wait3A_545] : memref<8192x100xi32, #tpu.memory_space<hbm>> -> memref<4x100xi32, #tpu.memory_space<hbm>>
        %dma_wait3A_547 = arith.constant 0 : i32
        %dma_wait3A_548 = tpu.memref_slice %arg2[%sub3A_544, %dma_wait3A_547] : memref<8192x100xi32, #tpu.memory_space<hbm>> -> memref<4x100xi32, #tpu.memory_space<hbm>>
        tpu.wait_dma2 semaphore(%arg18 : memref<!tpu.dma_semaphore, #tpu.memory_space<semaphore_mem>>) src(%dma_wait3A_548 : memref<4x100xi32, #tpu.memory_space<hbm>>) dst(%arg10 : memref<4x100xi32, #tpu.memory_space<vmem>>)
        %dma_start3A_549 = arith.constant 0 : i32
        %dma_start3A_550 = arith.constant 0 : i32
        %dma_start3A_551 = arith.constant 0 : i32
        %dma_start3A_552 = arith.constant 0 : i32
        %dma_start3A_553 = tpu.memref_slice %arg14[%dma_start3A_550, %dma_start3A_551, %dma_start3A_552] : memref<4x100x64xf32, #tpu.memory_space<vmem>> -> memref<1x100x64xf32, #tpu.memory_space<vmem>>
        %dma_start3A_554 = tpu.memref_squeeze %dma_start3A_553 : memref<1x100x64xf32, #tpu.memory_space<vmem>> -> memref<100x64xf32, #tpu.memory_space<vmem>>
        %dma_start3A_555 = arith.constant 0 : i32
        %dma_start3A_556 = tpu.memref_slice %arg10[%dma_start3A_549, %dma_start3A_555] : memref<4x100xi32, #tpu.memory_space<vmem>> -> memref<1x100xi32, #tpu.memory_space<vmem>>
        %dma_start3A_557 = tpu.memref_squeeze %dma_start3A_556 : memref<1x100xi32, #tpu.memory_space<vmem>> -> memref<100xi32, #tpu.memory_space<vmem>>
        %dma_start3A_558 = arith.constant 0 : i32
        %dma_start3A_559 = arith.constant 0 : i32
        %dma_start3A_560 = tpu.memref_slice %arg3[%dma_start3A_558, %dma_start3A_559] : memref<1000000x64xf32, #tpu.memory_space<hbm>> -> memref<1000000x64xf32, #tpu.memory_space<hbm>>
        tpu.enqueue_indirect_dma source(%dma_start3A_560 : memref<1000000x64xf32, #tpu.memory_space<hbm>>) target(%dma_start3A_554 : memref<100x64xf32, #tpu.memory_space<vmem>>) offsets(%dma_start3A_557 : memref<100xi32, #tpu.memory_space<vmem>>) semaphore(%arg22 : memref<!tpu.dma_semaphore, #tpu.memory_space<semaphore_mem>>) {add = true}
        %dma_start3A_561 = arith.constant 1 : i32
        %dma_start3A_562 = arith.constant 1 : i32
        %dma_start3A_563 = arith.constant 0 : i32
        %dma_start3A_564 = arith.constant 0 : i32
        %dma_start3A_565 = tpu.memref_slice %arg14[%dma_start3A_562, %dma_start3A_563, %dma_start3A_564] : memref<4x100x64xf32, #tpu.memory_space<vmem>> -> memref<1x100x64xf32, #tpu.memory_space<vmem>>
        %dma_start3A_566 = tpu.memref_squeeze %dma_start3A_565 : memref<1x100x64xf32, #tpu.memory_space<vmem>> -> memref<100x64xf32, #tpu.memory_space<vmem>>
        %dma_start3A_567 = arith.constant 0 : i32
        %dma_start3A_568 = tpu.memref_slice %arg10[%dma_start3A_561, %dma_start3A_567] : memref<4x100xi32, #tpu.memory_space<vmem>> -> memref<1x100xi32, #tpu.memory_space<vmem>>
        %dma_start3A_569 = tpu.memref_squeeze %dma_start3A_568 : memref<1x100xi32, #tpu.memory_space<vmem>> -> memref<100xi32, #tpu.memory_space<vmem>>
        %dma_start3A_570 = arith.constant 0 : i32
        %dma_start3A_571 = arith.constant 0 : i32
        %dma_start3A_572 = tpu.memref_slice %arg3[%dma_start3A_570, %dma_start3A_571] : memref<1000000x64xf32, #tpu.memory_space<hbm>> -> memref<1000000x64xf32, #tpu.memory_space<hbm>>
        tpu.enqueue_indirect_dma source(%dma_start3A_572 : memref<1000000x64xf32, #tpu.memory_space<hbm>>) target(%dma_start3A_566 : memref<100x64xf32, #tpu.memory_space<vmem>>) offsets(%dma_start3A_569 : memref<100xi32, #tpu.memory_space<vmem>>) semaphore(%arg22 : memref<!tpu.dma_semaphore, #tpu.memory_space<semaphore_mem>>) {add = true}
        %dma_start3A_573 = arith.constant 2 : i32
        %dma_start3A_574 = arith.constant 2 : i32
        %dma_start3A_575 = arith.constant 0 : i32
        %dma_start3A_576 = arith.constant 0 : i32
        %dma_start3A_577 = tpu.memref_slice %arg14[%dma_start3A_574, %dma_start3A_575, %dma_start3A_576] : memref<4x100x64xf32, #tpu.memory_space<vmem>> -> memref<1x100x64xf32, #tpu.memory_space<vmem>>
        %dma_start3A_578 = tpu.memref_squeeze %dma_start3A_577 : memref<1x100x64xf32, #tpu.memory_space<vmem>> -> memref<100x64xf32, #tpu.memory_space<vmem>>
        %dma_start3A_579 = arith.constant 0 : i32
        %dma_start3A_580 = tpu.memref_slice %arg10[%dma_start3A_573, %dma_start3A_579] : memref<4x100xi32, #tpu.memory_space<vmem>> -> memref<1x100xi32, #tpu.memory_space<vmem>>
        %dma_start3A_581 = tpu.memref_squeeze %dma_start3A_580 : memref<1x100xi32, #tpu.memory_space<vmem>> -> memref<100xi32, #tpu.memory_space<vmem>>
        %dma_start3A_582 = arith.constant 0 : i32
        %dma_start3A_583 = arith.constant 0 : i32
        %dma_start3A_584 = tpu.memref_slice %arg3[%dma_start3A_582, %dma_start3A_583] : memref<1000000x64xf32, #tpu.memory_space<hbm>> -> memref<1000000x64xf32, #tpu.memory_space<hbm>>
        tpu.enqueue_indirect_dma source(%dma_start3A_584 : memref<1000000x64xf32, #tpu.memory_space<hbm>>) target(%dma_start3A_578 : memref<100x64xf32, #tpu.memory_space<vmem>>) offsets(%dma_start3A_581 : memref<100xi32, #tpu.memory_space<vmem>>) semaphore(%arg22 : memref<!tpu.dma_semaphore, #tpu.memory_space<semaphore_mem>>) {add = true}
        %dma_start3A_585 = arith.constant 3 : i32
        %dma_start3A_586 = arith.constant 3 : i32
        %dma_start3A_587 = arith.constant 0 : i32
        %dma_start3A_588 = arith.constant 0 : i32
        %dma_start3A_589 = tpu.memref_slice %arg14[%dma_start3A_586, %dma_start3A_587, %dma_start3A_588] : memref<4x100x64xf32, #tpu.memory_space<vmem>> -> memref<1x100x64xf32, #tpu.memory_space<vmem>>
        %dma_start3A_590 = tpu.memref_squeeze %dma_start3A_589 : memref<1x100x64xf32, #tpu.memory_space<vmem>> -> memref<100x64xf32, #tpu.memory_space<vmem>>
        %dma_start3A_591 = arith.constant 0 : i32
        %dma_start3A_592 = tpu.memref_slice %arg10[%dma_start3A_585, %dma_start3A_591] : memref<4x100xi32, #tpu.memory_space<vmem>> -> memref<1x100xi32, #tpu.memory_space<vmem>>
        %dma_start3A_593 = tpu.memref_squeeze %dma_start3A_592 : memref<1x100xi32, #tpu.memory_space<vmem>> -> memref<100xi32, #tpu.memory_space<vmem>>
        %dma_start3A_594 = arith.constant 0 : i32
        %dma_start3A_595 = arith.constant 0 : i32
        %dma_start3A_596 = tpu.memref_slice %arg3[%dma_start3A_594, %dma_start3A_595] : memref<1000000x64xf32, #tpu.memory_space<hbm>> -> memref<1000000x64xf32, #tpu.memory_space<hbm>>
        tpu.enqueue_indirect_dma source(%dma_start3A_596 : memref<1000000x64xf32, #tpu.memory_space<hbm>>) target(%dma_start3A_590 : memref<100x64xf32, #tpu.memory_space<vmem>>) offsets(%dma_start3A_593 : memref<100xi32, #tpu.memory_space<vmem>>) semaphore(%arg22 : memref<!tpu.dma_semaphore, #tpu.memory_space<semaphore_mem>>) {add = true}
      } else {
      }
      %ge3A_226 = arith.constant 1 : i32
      %ge3A_227 = arith.cmpi sge, %scan3A_207, %ge3A_226 : i32
      %convert_element_type3A_228 = arith.extui %ge3A_227 : i1 to i32
      %cond3A_229 = arith.constant 0 : i32
      %cond3A_230 = arith.cmpi ne, %convert_element_type3A_228, %cond3A_229 : i32
      scf.if %cond3A_230 {
        %sub3A_543 = arith.constant 8 : i32
        %sub3A_544 = arith.subi %add3A_212, %sub3A_543 : i32
        %dma_wait3A_545 = arith.constant 0 : i32
        %dma_wait3A_546 = arith.constant 0 : i32
        %dma_wait3A_547 = arith.constant 0 : i32
        %dma_wait3A_548 = arith.constant 0 : i32
        %dma_wait3A_549 = tpu.memref_slice %arg13[%dma_wait3A_546, %dma_wait3A_547, %dma_wait3A_548] : memref<4x100x64xf32, #tpu.memory_space<vmem>> -> memref<1x100x64xf32, #tpu.memory_space<vmem>>
        %dma_wait3A_550 = tpu.memref_squeeze %dma_wait3A_549 : memref<1x100x64xf32, #tpu.memory_space<vmem>> -> memref<100x64xf32, #tpu.memory_space<vmem>>
        %dma_wait3A_551 = arith.constant 0 : i32
        %dma_wait3A_552 = tpu.memref_slice %arg9[%dma_wait3A_545, %dma_wait3A_551] : memref<4x100xi32, #tpu.memory_space<vmem>> -> memref<1x100xi32, #tpu.memory_space<vmem>>
        %dma_wait3A_553 = tpu.memref_squeeze %dma_wait3A_552 : memref<1x100xi32, #tpu.memory_space<vmem>> -> memref<100xi32, #tpu.memory_space<vmem>>
        %dma_wait3A_554 = arith.constant 0 : i32
        %dma_wait3A_555 = arith.constant 0 : i32
        %dma_wait3A_556 = tpu.memref_slice %arg3[%dma_wait3A_554, %dma_wait3A_555] : memref<1000000x64xf32, #tpu.memory_space<hbm>> -> memref<1000000x64xf32, #tpu.memory_space<hbm>>
        tpu.wait_indirect_dma semaphore(%arg21 : memref<!tpu.dma_semaphore, #tpu.memory_space<semaphore_mem>>) src(%dma_wait3A_556 : memref<1000000x64xf32, #tpu.memory_space<hbm>>) dst(%dma_wait3A_550 : memref<100x64xf32, #tpu.memory_space<vmem>>)
        %dma_wait3A_557 = arith.constant 1 : i32
        %dma_wait3A_558 = arith.constant 1 : i32
        %dma_wait3A_559 = arith.constant 0 : i32
        %dma_wait3A_560 = arith.constant 0 : i32
        %dma_wait3A_561 = tpu.memref_slice %arg13[%dma_wait3A_558, %dma_wait3A_559, %dma_wait3A_560] : memref<4x100x64xf32, #tpu.memory_space<vmem>> -> memref<1x100x64xf32, #tpu.memory_space<vmem>>
        %dma_wait3A_562 = tpu.memref_squeeze %dma_wait3A_561 : memref<1x100x64xf32, #tpu.memory_space<vmem>> -> memref<100x64xf32, #tpu.memory_space<vmem>>
        %dma_wait3A_563 = arith.constant 0 : i32
        %dma_wait3A_564 = tpu.memref_slice %arg9[%dma_wait3A_557, %dma_wait3A_563] : memref<4x100xi32, #tpu.memory_space<vmem>> -> memref<1x100xi32, #tpu.memory_space<vmem>>
        %dma_wait3A_565 = tpu.memref_squeeze %dma_wait3A_564 : memref<1x100xi32, #tpu.memory_space<vmem>> -> memref<100xi32, #tpu.memory_space<vmem>>
        %dma_wait3A_566 = arith.constant 0 : i32
        %dma_wait3A_567 = arith.constant 0 : i32
        %dma_wait3A_568 = tpu.memref_slice %arg3[%dma_wait3A_566, %dma_wait3A_567] : memref<1000000x64xf32, #tpu.memory_space<hbm>> -> memref<1000000x64xf32, #tpu.memory_space<hbm>>
        tpu.wait_indirect_dma semaphore(%arg21 : memref<!tpu.dma_semaphore, #tpu.memory_space<semaphore_mem>>) src(%dma_wait3A_568 : memref<1000000x64xf32, #tpu.memory_space<hbm>>) dst(%dma_wait3A_562 : memref<100x64xf32, #tpu.memory_space<vmem>>)
        %dma_wait3A_569 = arith.constant 2 : i32
        %dma_wait3A_570 = arith.constant 2 : i32
        %dma_wait3A_571 = arith.constant 0 : i32
        %dma_wait3A_572 = arith.constant 0 : i32
        %dma_wait3A_573 = tpu.memref_slice %arg13[%dma_wait3A_570, %dma_wait3A_571, %dma_wait3A_572] : memref<4x100x64xf32, #tpu.memory_space<vmem>> -> memref<1x100x64xf32, #tpu.memory_space<vmem>>
        %dma_wait3A_574 = tpu.memref_squeeze %dma_wait3A_573 : memref<1x100x64xf32, #tpu.memory_space<vmem>> -> memref<100x64xf32, #tpu.memory_space<vmem>>
        %dma_wait3A_575 = arith.constant 0 : i32
        %dma_wait3A_576 = tpu.memref_slice %arg9[%dma_wait3A_569, %dma_wait3A_575] : memref<4x100xi32, #tpu.memory_space<vmem>> -> memref<1x100xi32, #tpu.memory_space<vmem>>
        %dma_wait3A_577 = tpu.memref_squeeze %dma_wait3A_576 : memref<1x100xi32, #tpu.memory_space<vmem>> -> memref<100xi32, #tpu.memory_space<vmem>>
        %dma_wait3A_578 = arith.constant 0 : i32
        %dma_wait3A_579 = arith.constant 0 : i32
        %dma_wait3A_580 = tpu.memref_slice %arg3[%dma_wait3A_578, %dma_wait3A_579] : memref<1000000x64xf32, #tpu.memory_space<hbm>> -> memref<1000000x64xf32, #tpu.memory_space<hbm>>
        tpu.wait_indirect_dma semaphore(%arg21 : memref<!tpu.dma_semaphore, #tpu.memory_space<semaphore_mem>>) src(%dma_wait3A_580 : memref<1000000x64xf32, #tpu.memory_space<hbm>>) dst(%dma_wait3A_574 : memref<100x64xf32, #tpu.memory_space<vmem>>)
        %dma_wait3A_581 = arith.constant 3 : i32
        %dma_wait3A_582 = arith.constant 3 : i32
        %dma_wait3A_583 = arith.constant 0 : i32
        %dma_wait3A_584 = arith.constant 0 : i32
        %dma_wait3A_585 = tpu.memref_slice %arg13[%dma_wait3A_582, %dma_wait3A_583, %dma_wait3A_584] : memref<4x100x64xf32, #tpu.memory_space<vmem>> -> memref<1x100x64xf32, #tpu.memory_space<vmem>>
        %dma_wait3A_586 = tpu.memref_squeeze %dma_wait3A_585 : memref<1x100x64xf32, #tpu.memory_space<vmem>> -> memref<100x64xf32, #tpu.memory_space<vmem>>
        %dma_wait3A_587 = arith.constant 0 : i32
        %dma_wait3A_588 = tpu.memref_slice %arg9[%dma_wait3A_581, %dma_wait3A_587] : memref<4x100xi32, #tpu.memory_space<vmem>> -> memref<1x100xi32, #tpu.memory_space<vmem>>
        %dma_wait3A_589 = tpu.memref_squeeze %dma_wait3A_588 : memref<1x100xi32, #tpu.memory_space<vmem>> -> memref<100xi32, #tpu.memory_space<vmem>>
        %dma_wait3A_590 = arith.constant 0 : i32
        %dma_wait3A_591 = arith.constant 0 : i32
        %dma_wait3A_592 = tpu.memref_slice %arg3[%dma_wait3A_590, %dma_wait3A_591] : memref<1000000x64xf32, #tpu.memory_space<hbm>> -> memref<1000000x64xf32, #tpu.memory_space<hbm>>
        tpu.wait_indirect_dma semaphore(%arg21 : memref<!tpu.dma_semaphore, #tpu.memory_space<semaphore_mem>>) src(%dma_wait3A_592 : memref<1000000x64xf32, #tpu.memory_space<hbm>>) dst(%dma_wait3A_586 : memref<100x64xf32, #tpu.memory_space<vmem>>)
        %dma_start3A_593 = arith.constant 0 : i32
        %dma_start3A_594 = arith.constant 0 : i32
        %dma_start3A_595 = tpu.memref_slice %arg5[%sub3A_544, %dma_start3A_593, %dma_start3A_594] : memref<8192x100x64xf32, #tpu.memory_space<hbm>> -> memref<4x100x64xf32, #tpu.memory_space<hbm>>
        %dma_start3A_596 = arith.constant 0 : i32
        %dma_start3A_597 = arith.constant 0 : i32
        %dma_start3A_598 = tpu.memref_slice %arg5[%sub3A_544, %dma_start3A_596, %dma_start3A_597] : memref<8192x100x64xf32, #tpu.memory_space<hbm>> -> memref<4x100x64xf32, #tpu.memory_space<hbm>>
        tpu.enqueue_dma source(%arg13 : memref<4x100x64xf32, #tpu.memory_space<vmem>>) target(%dma_start3A_598 : memref<4x100x64xf32, #tpu.memory_space<hbm>>) target_semaphore(%arg25 : memref<!tpu.dma_semaphore, #tpu.memory_space<semaphore_mem>>)
      } else {
      }
      %add3A_231 = arith.constant 4 : i32
      %add3A_232 = arith.addi %add3A_210, %add3A_231 : i32
      %ge3A_233 = arith.constant 1 : i32
      %ge3A_234 = arith.cmpi sge, %scan3A_207, %ge3A_233 : i32
      %convert_element_type3A_235 = arith.extui %ge3A_234 : i1 to i32
      %cond3A_236 = arith.constant 0 : i32
      %cond3A_237 = arith.cmpi ne, %convert_element_type3A_235, %cond3A_236 : i32
      scf.if %cond3A_237 {
        %sub3A_543 = arith.constant 16 : i32
        %sub3A_544 = arith.subi %add3A_232, %sub3A_543 : i32
        %dma_wait3A_545 = arith.constant 0 : i32
        %dma_wait3A_546 = arith.constant 0 : i32
        %dma_wait3A_547 = tpu.memref_slice %arg5[%sub3A_544, %dma_wait3A_545, %dma_wait3A_546] : memref<8192x100x64xf32, #tpu.memory_space<hbm>> -> memref<4x100x64xf32, #tpu.memory_space<hbm>>
        %dma_wait3A_548 = arith.constant 0 : i32
        %dma_wait3A_549 = arith.constant 0 : i32
        %dma_wait3A_550 = tpu.memref_slice %arg5[%sub3A_544, %dma_wait3A_548, %dma_wait3A_549] : memref<8192x100x64xf32, #tpu.memory_space<hbm>> -> memref<4x100x64xf32, #tpu.memory_space<hbm>>
        tpu.wait_dma2 semaphore(%arg24 : memref<!tpu.dma_semaphore, #tpu.memory_space<semaphore_mem>>) src(%arg12 : memref<4x100x64xf32, #tpu.memory_space<vmem>>) dst(%dma_wait3A_550 : memref<4x100x64xf32, #tpu.memory_space<hbm>>)
      } else {
      }
      "tpu.region"() ({
        %run_scoped3A = tpu.sem_alloc : memref<!tpu.dma_semaphore, #tpu.memory_space<semaphore_mem>>
        tpu.enqueue_dma source(%arg6 : memref<4x100x64xf32, #tpu.memory_space<vmem_shared>>) target(%arg12 : memref<4x100x64xf32, #tpu.memory_space<vmem>>) target_semaphore(%run_scoped3A : memref<!tpu.dma_semaphore, #tpu.memory_space<semaphore_mem>>)
        tpu.wait_dma2 semaphore(%run_scoped3A : memref<!tpu.dma_semaphore, #tpu.memory_space<semaphore_mem>>) src(%arg6 : memref<4x100x64xf32, #tpu.memory_space<vmem_shared>>) dst(%arg12 : memref<4x100x64xf32, #tpu.memory_space<vmem>>)
        tpu.yield
      }) : () -> ()
      %dma_start3A_238 = arith.constant 0 : i32
      %dma_start3A_239 = tpu.memref_slice %arg2[%add3A_232, %dma_start3A_238] : memref<8192x100xi32, #tpu.memory_space<hbm>> -> memref<4x100xi32, #tpu.memory_space<hbm>>
      %dma_start3A_240 = arith.constant 0 : i32
      %dma_start3A_241 = tpu.memref_slice %arg2[%add3A_232, %dma_start3A_240] : memref<8192x100xi32, #tpu.memory_space<hbm>> -> memref<4x100xi32, #tpu.memory_space<hbm>>
      tpu.enqueue_dma source(%dma_start3A_241 : memref<4x100xi32, #tpu.memory_space<hbm>>) target(%arg8 : memref<4x100xi32, #tpu.memory_space<vmem>>) target_semaphore(%arg16 : memref<!tpu.dma_semaphore, #tpu.memory_space<semaphore_mem>>)
      %sub3A_242 = arith.constant 4 : i32
      %sub3A_243 = arith.subi %add3A_232, %sub3A_242 : i32
      %dma_wait3A_244 = arith.constant 0 : i32
      %dma_wait3A_245 = tpu.memref_slice %arg2[%sub3A_243, %dma_wait3A_244] : memref<8192x100xi32, #tpu.memory_space<hbm>> -> memref<4x100xi32, #tpu.memory_space<hbm>>
      %dma_wait3A_246 = arith.constant 0 : i32
      %dma_wait3A_247 = tpu.memref_slice %arg2[%sub3A_243, %dma_wait3A_246] : memref<8192x100xi32, #tpu.memory_space<hbm>> -> memref<4x100xi32, #tpu.memory_space<hbm>>
      tpu.wait_dma2 semaphore(%arg15 : memref<!tpu.dma_semaphore, #tpu.memory_space<semaphore_mem>>) src(%dma_wait3A_247 : memref<4x100xi32, #tpu.memory_space<hbm>>) dst(%arg7 : memref<4x100xi32, #tpu.memory_space<vmem>>)
      %dma_start3A_248 = arith.constant 0 : i32
      %dma_start3A_249 = arith.constant 0 : i32
      %dma_start3A_250 = arith.constant 0 : i32
      %dma_start3A_251 = arith.constant 0 : i32
      %dma_start3A_252 = tpu.memref_slice %arg11[%dma_start3A_249, %dma_start3A_250, %dma_start3A_251] : memref<4x100x64xf32, #tpu.memory_space<vmem>> -> memref<1x100x64xf32, #tpu.memory_space<vmem>>
      %dma_start3A_253 = tpu.memref_squeeze %dma_start3A_252 : memref<1x100x64xf32, #tpu.memory_space<vmem>> -> memref<100x64xf32, #tpu.memory_space<vmem>>
      %dma_start3A_254 = arith.constant 0 : i32
      %dma_start3A_255 = tpu.memref_slice %arg7[%dma_start3A_248, %dma_start3A_254] : memref<4x100xi32, #tpu.memory_space<vmem>> -> memref<1x100xi32, #tpu.memory_space<vmem>>
      %dma_start3A_256 = tpu.memref_squeeze %dma_start3A_255 : memref<1x100xi32, #tpu.memory_space<vmem>> -> memref<100xi32, #tpu.memory_space<vmem>>
      %dma_start3A_257 = arith.constant 0 : i32
      %dma_start3A_258 = arith.constant 0 : i32
      %dma_start3A_259 = tpu.memref_slice %arg3[%dma_start3A_257, %dma_start3A_258] : memref<1000000x64xf32, #tpu.memory_space<hbm>> -> memref<1000000x64xf32, #tpu.memory_space<hbm>>
      tpu.enqueue_indirect_dma source(%dma_start3A_259 : memref<1000000x64xf32, #tpu.memory_space<hbm>>) target(%dma_start3A_253 : memref<100x64xf32, #tpu.memory_space<vmem>>) offsets(%dma_start3A_256 : memref<100xi32, #tpu.memory_space<vmem>>) semaphore(%arg19 : memref<!tpu.dma_semaphore, #tpu.memory_space<semaphore_mem>>) {add = true}
      %dma_start3A_260 = arith.constant 1 : i32
      %dma_start3A_261 = arith.constant 1 : i32
      %dma_start3A_262 = arith.constant 0 : i32
      %dma_start3A_263 = arith.constant 0 : i32
      %dma_start3A_264 = tpu.memref_slice %arg11[%dma_start3A_261, %dma_start3A_262, %dma_start3A_263] : memref<4x100x64xf32, #tpu.memory_space<vmem>> -> memref<1x100x64xf32, #tpu.memory_space<vmem>>
      %dma_start3A_265 = tpu.memref_squeeze %dma_start3A_264 : memref<1x100x64xf32, #tpu.memory_space<vmem>> -> memref<100x64xf32, #tpu.memory_space<vmem>>
      %dma_start3A_266 = arith.constant 0 : i32
      %dma_start3A_267 = tpu.memref_slice %arg7[%dma_start3A_260, %dma_start3A_266] : memref<4x100xi32, #tpu.memory_space<vmem>> -> memref<1x100xi32, #tpu.memory_space<vmem>>
      %dma_start3A_268 = tpu.memref_squeeze %dma_start3A_267 : memref<1x100xi32, #tpu.memory_space<vmem>> -> memref<100xi32, #tpu.memory_space<vmem>>
      %dma_start3A_269 = arith.constant 0 : i32
      %dma_start3A_270 = arith.constant 0 : i32
      %dma_start3A_271 = tpu.memref_slice %arg3[%dma_start3A_269, %dma_start3A_270] : memref<1000000x64xf32, #tpu.memory_space<hbm>> -> memref<1000000x64xf32, #tpu.memory_space<hbm>>
      tpu.enqueue_indirect_dma source(%dma_start3A_271 : memref<1000000x64xf32, #tpu.memory_space<hbm>>) target(%dma_start3A_265 : memref<100x64xf32, #tpu.memory_space<vmem>>) offsets(%dma_start3A_268 : memref<100xi32, #tpu.memory_space<vmem>>) semaphore(%arg19 : memref<!tpu.dma_semaphore, #tpu.memory_space<semaphore_mem>>) {add = true}
      %dma_start3A_272 = arith.constant 2 : i32
      %dma_start3A_273 = arith.constant 2 : i32
      %dma_start3A_274 = arith.constant 0 : i32
      %dma_start3A_275 = arith.constant 0 : i32
      %dma_start3A_276 = tpu.memref_slice %arg11[%dma_start3A_273, %dma_start3A_274, %dma_start3A_275] : memref<4x100x64xf32, #tpu.memory_space<vmem>> -> memref<1x100x64xf32, #tpu.memory_space<vmem>>
      %dma_start3A_277 = tpu.memref_squeeze %dma_start3A_276 : memref<1x100x64xf32, #tpu.memory_space<vmem>> -> memref<100x64xf32, #tpu.memory_space<vmem>>
      %dma_start3A_278 = arith.constant 0 : i32
      %dma_start3A_279 = tpu.memref_slice %arg7[%dma_start3A_272, %dma_start3A_278] : memref<4x100xi32, #tpu.memory_space<vmem>> -> memref<1x100xi32, #tpu.memory_space<vmem>>
      %dma_start3A_280 = tpu.memref_squeeze %dma_start3A_279 : memref<1x100xi32, #tpu.memory_space<vmem>> -> memref<100xi32, #tpu.memory_space<vmem>>
      %dma_start3A_281 = arith.constant 0 : i32
      %dma_start3A_282 = arith.constant 0 : i32
      %dma_start3A_283 = tpu.memref_slice %arg3[%dma_start3A_281, %dma_start3A_282] : memref<1000000x64xf32, #tpu.memory_space<hbm>> -> memref<1000000x64xf32, #tpu.memory_space<hbm>>
      tpu.enqueue_indirect_dma source(%dma_start3A_283 : memref<1000000x64xf32, #tpu.memory_space<hbm>>) target(%dma_start3A_277 : memref<100x64xf32, #tpu.memory_space<vmem>>) offsets(%dma_start3A_280 : memref<100xi32, #tpu.memory_space<vmem>>) semaphore(%arg19 : memref<!tpu.dma_semaphore, #tpu.memory_space<semaphore_mem>>) {add = true}
      %dma_start3A_284 = arith.constant 3 : i32
      %dma_start3A_285 = arith.constant 3 : i32
      %dma_start3A_286 = arith.constant 0 : i32
      %dma_start3A_287 = arith.constant 0 : i32
      %dma_start3A_288 = tpu.memref_slice %arg11[%dma_start3A_285, %dma_start3A_286, %dma_start3A_287] : memref<4x100x64xf32, #tpu.memory_space<vmem>> -> memref<1x100x64xf32, #tpu.memory_space<vmem>>
      %dma_start3A_289 = tpu.memref_squeeze %dma_start3A_288 : memref<1x100x64xf32, #tpu.memory_space<vmem>> -> memref<100x64xf32, #tpu.memory_space<vmem>>
      %dma_start3A_290 = arith.constant 0 : i32
      %dma_start3A_291 = tpu.memref_slice %arg7[%dma_start3A_284, %dma_start3A_290] : memref<4x100xi32, #tpu.memory_space<vmem>> -> memref<1x100xi32, #tpu.memory_space<vmem>>
      %dma_start3A_292 = tpu.memref_squeeze %dma_start3A_291 : memref<1x100xi32, #tpu.memory_space<vmem>> -> memref<100xi32, #tpu.memory_space<vmem>>
      %dma_start3A_293 = arith.constant 0 : i32
      %dma_start3A_294 = arith.constant 0 : i32
      %dma_start3A_295 = tpu.memref_slice %arg3[%dma_start3A_293, %dma_start3A_294] : memref<1000000x64xf32, #tpu.memory_space<hbm>> -> memref<1000000x64xf32, #tpu.memory_space<hbm>>
      tpu.enqueue_indirect_dma source(%dma_start3A_295 : memref<1000000x64xf32, #tpu.memory_space<hbm>>) target(%dma_start3A_289 : memref<100x64xf32, #tpu.memory_space<vmem>>) offsets(%dma_start3A_292 : memref<100xi32, #tpu.memory_space<vmem>>) semaphore(%arg19 : memref<!tpu.dma_semaphore, #tpu.memory_space<semaphore_mem>>) {add = true}
      %ge3A_296 = arith.constant 1 : i32
      %ge3A_297 = arith.cmpi sge, %scan3A_207, %ge3A_296 : i32
      %convert_element_type3A_298 = arith.extui %ge3A_297 : i1 to i32
      %cond3A_299 = arith.constant 0 : i32
      %cond3A_300 = arith.cmpi ne, %convert_element_type3A_298, %cond3A_299 : i32
      scf.if %cond3A_300 {
        %sub3A_543 = arith.constant 8 : i32
        %sub3A_544 = arith.subi %add3A_232, %sub3A_543 : i32
        %dma_wait3A_545 = arith.constant 0 : i32
        %dma_wait3A_546 = arith.constant 0 : i32
        %dma_wait3A_547 = arith.constant 0 : i32
        %dma_wait3A_548 = arith.constant 0 : i32
        %dma_wait3A_549 = tpu.memref_slice %arg14[%dma_wait3A_546, %dma_wait3A_547, %dma_wait3A_548] : memref<4x100x64xf32, #tpu.memory_space<vmem>> -> memref<1x100x64xf32, #tpu.memory_space<vmem>>
        %dma_wait3A_550 = tpu.memref_squeeze %dma_wait3A_549 : memref<1x100x64xf32, #tpu.memory_space<vmem>> -> memref<100x64xf32, #tpu.memory_space<vmem>>
        %dma_wait3A_551 = arith.constant 0 : i32
        %dma_wait3A_552 = tpu.memref_slice %arg10[%dma_wait3A_545, %dma_wait3A_551] : memref<4x100xi32, #tpu.memory_space<vmem>> -> memref<1x100xi32, #tpu.memory_space<vmem>>
        %dma_wait3A_553 = tpu.memref_squeeze %dma_wait3A_552 : memref<1x100xi32, #tpu.memory_space<vmem>> -> memref<100xi32, #tpu.memory_space<vmem>>
        %dma_wait3A_554 = arith.constant 0 : i32
        %dma_wait3A_555 = arith.constant 0 : i32
        %dma_wait3A_556 = tpu.memref_slice %arg3[%dma_wait3A_554, %dma_wait3A_555] : memref<1000000x64xf32, #tpu.memory_space<hbm>> -> memref<1000000x64xf32, #tpu.memory_space<hbm>>
        tpu.wait_indirect_dma semaphore(%arg22 : memref<!tpu.dma_semaphore, #tpu.memory_space<semaphore_mem>>) src(%dma_wait3A_556 : memref<1000000x64xf32, #tpu.memory_space<hbm>>) dst(%dma_wait3A_550 : memref<100x64xf32, #tpu.memory_space<vmem>>)
        %dma_wait3A_557 = arith.constant 1 : i32
        %dma_wait3A_558 = arith.constant 1 : i32
        %dma_wait3A_559 = arith.constant 0 : i32
        %dma_wait3A_560 = arith.constant 0 : i32
        %dma_wait3A_561 = tpu.memref_slice %arg14[%dma_wait3A_558, %dma_wait3A_559, %dma_wait3A_560] : memref<4x100x64xf32, #tpu.memory_space<vmem>> -> memref<1x100x64xf32, #tpu.memory_space<vmem>>
        %dma_wait3A_562 = tpu.memref_squeeze %dma_wait3A_561 : memref<1x100x64xf32, #tpu.memory_space<vmem>> -> memref<100x64xf32, #tpu.memory_space<vmem>>
        %dma_wait3A_563 = arith.constant 0 : i32
        %dma_wait3A_564 = tpu.memref_slice %arg10[%dma_wait3A_557, %dma_wait3A_563] : memref<4x100xi32, #tpu.memory_space<vmem>> -> memref<1x100xi32, #tpu.memory_space<vmem>>
        %dma_wait3A_565 = tpu.memref_squeeze %dma_wait3A_564 : memref<1x100xi32, #tpu.memory_space<vmem>> -> memref<100xi32, #tpu.memory_space<vmem>>
        %dma_wait3A_566 = arith.constant 0 : i32
        %dma_wait3A_567 = arith.constant 0 : i32
        %dma_wait3A_568 = tpu.memref_slice %arg3[%dma_wait3A_566, %dma_wait3A_567] : memref<1000000x64xf32, #tpu.memory_space<hbm>> -> memref<1000000x64xf32, #tpu.memory_space<hbm>>
        tpu.wait_indirect_dma semaphore(%arg22 : memref<!tpu.dma_semaphore, #tpu.memory_space<semaphore_mem>>) src(%dma_wait3A_568 : memref<1000000x64xf32, #tpu.memory_space<hbm>>) dst(%dma_wait3A_562 : memref<100x64xf32, #tpu.memory_space<vmem>>)
        %dma_wait3A_569 = arith.constant 2 : i32
        %dma_wait3A_570 = arith.constant 2 : i32
        %dma_wait3A_571 = arith.constant 0 : i32
        %dma_wait3A_572 = arith.constant 0 : i32
        %dma_wait3A_573 = tpu.memref_slice %arg14[%dma_wait3A_570, %dma_wait3A_571, %dma_wait3A_572] : memref<4x100x64xf32, #tpu.memory_space<vmem>> -> memref<1x100x64xf32, #tpu.memory_space<vmem>>
        %dma_wait3A_574 = tpu.memref_squeeze %dma_wait3A_573 : memref<1x100x64xf32, #tpu.memory_space<vmem>> -> memref<100x64xf32, #tpu.memory_space<vmem>>
        %dma_wait3A_575 = arith.constant 0 : i32
        %dma_wait3A_576 = tpu.memref_slice %arg10[%dma_wait3A_569, %dma_wait3A_575] : memref<4x100xi32, #tpu.memory_space<vmem>> -> memref<1x100xi32, #tpu.memory_space<vmem>>
        %dma_wait3A_577 = tpu.memref_squeeze %dma_wait3A_576 : memref<1x100xi32, #tpu.memory_space<vmem>> -> memref<100xi32, #tpu.memory_space<vmem>>
        %dma_wait3A_578 = arith.constant 0 : i32
        %dma_wait3A_579 = arith.constant 0 : i32
        %dma_wait3A_580 = tpu.memref_slice %arg3[%dma_wait3A_578, %dma_wait3A_579] : memref<1000000x64xf32, #tpu.memory_space<hbm>> -> memref<1000000x64xf32, #tpu.memory_space<hbm>>
        tpu.wait_indirect_dma semaphore(%arg22 : memref<!tpu.dma_semaphore, #tpu.memory_space<semaphore_mem>>) src(%dma_wait3A_580 : memref<1000000x64xf32, #tpu.memory_space<hbm>>) dst(%dma_wait3A_574 : memref<100x64xf32, #tpu.memory_space<vmem>>)
        %dma_wait3A_581 = arith.constant 3 : i32
        %dma_wait3A_582 = arith.constant 3 : i32
        %dma_wait3A_583 = arith.constant 0 : i32
        %dma_wait3A_584 = arith.constant 0 : i32
        %dma_wait3A_585 = tpu.memref_slice %arg14[%dma_wait3A_582, %dma_wait3A_583, %dma_wait3A_584] : memref<4x100x64xf32, #tpu.memory_space<vmem>> -> memref<1x100x64xf32, #tpu.memory_space<vmem>>
        %dma_wait3A_586 = tpu.memref_squeeze %dma_wait3A_585 : memref<1x100x64xf32, #tpu.memory_space<vmem>> -> memref<100x64xf32, #tpu.memory_space<vmem>>
        %dma_wait3A_587 = arith.constant 0 : i32
        %dma_wait3A_588 = tpu.memref_slice %arg10[%dma_wait3A_581, %dma_wait3A_587] : memref<4x100xi32, #tpu.memory_space<vmem>> -> memref<1x100xi32, #tpu.memory_space<vmem>>
        %dma_wait3A_589 = tpu.memref_squeeze %dma_wait3A_588 : memref<1x100xi32, #tpu.memory_space<vmem>> -> memref<100xi32, #tpu.memory_space<vmem>>
        %dma_wait3A_590 = arith.constant 0 : i32
        %dma_wait3A_591 = arith.constant 0 : i32
        %dma_wait3A_592 = tpu.memref_slice %arg3[%dma_wait3A_590, %dma_wait3A_591] : memref<1000000x64xf32, #tpu.memory_space<hbm>> -> memref<1000000x64xf32, #tpu.memory_space<hbm>>
        tpu.wait_indirect_dma semaphore(%arg22 : memref<!tpu.dma_semaphore, #tpu.memory_space<semaphore_mem>>) src(%dma_wait3A_592 : memref<1000000x64xf32, #tpu.memory_space<hbm>>) dst(%dma_wait3A_586 : memref<100x64xf32, #tpu.memory_space<vmem>>)
        %dma_start3A_593 = arith.constant 0 : i32
        %dma_start3A_594 = arith.constant 0 : i32
        %dma_start3A_595 = tpu.memref_slice %arg5[%sub3A_544, %dma_start3A_593, %dma_start3A_594] : memref<8192x100x64xf32, #tpu.memory_space<hbm>> -> memref<4x100x64xf32, #tpu.memory_space<hbm>>
        %dma_start3A_596 = arith.constant 0 : i32
        %dma_start3A_597 = arith.constant 0 : i32
        %dma_start3A_598 = tpu.memref_slice %arg5[%sub3A_544, %dma_start3A_596, %dma_start3A_597] : memref<8192x100x64xf32, #tpu.memory_space<hbm>> -> memref<4x100x64xf32, #tpu.memory_space<hbm>>
        tpu.enqueue_dma source(%arg14 : memref<4x100x64xf32, #tpu.memory_space<vmem>>) target(%dma_start3A_598 : memref<4x100x64xf32, #tpu.memory_space<hbm>>) target_semaphore(%arg26 : memref<!tpu.dma_semaphore, #tpu.memory_space<semaphore_mem>>)
      } else {
      }
      %add3A_301 = arith.constant 8 : i32
      %add3A_302 = arith.addi %add3A_210, %add3A_301 : i32
      %ge3A_303 = arith.constant 1 : i32
      %ge3A_304 = arith.cmpi sge, %scan3A_207, %ge3A_303 : i32
      %convert_element_type3A_305 = arith.extui %ge3A_304 : i1 to i32
      %cond3A_306 = arith.constant 0 : i32
      %cond3A_307 = arith.cmpi ne, %convert_element_type3A_305, %cond3A_306 : i32
      scf.if %cond3A_307 {
        %sub3A_543 = arith.constant 16 : i32
        %sub3A_544 = arith.subi %add3A_302, %sub3A_543 : i32
        %dma_wait3A_545 = arith.constant 0 : i32
        %dma_wait3A_546 = arith.constant 0 : i32
        %dma_wait3A_547 = tpu.memref_slice %arg5[%sub3A_544, %dma_wait3A_545, %dma_wait3A_546] : memref<8192x100x64xf32, #tpu.memory_space<hbm>> -> memref<4x100x64xf32, #tpu.memory_space<hbm>>
        %dma_wait3A_548 = arith.constant 0 : i32
        %dma_wait3A_549 = arith.constant 0 : i32
        %dma_wait3A_550 = tpu.memref_slice %arg5[%sub3A_544, %dma_wait3A_548, %dma_wait3A_549] : memref<8192x100x64xf32, #tpu.memory_space<hbm>> -> memref<4x100x64xf32, #tpu.memory_space<hbm>>
        tpu.wait_dma2 semaphore(%arg25 : memref<!tpu.dma_semaphore, #tpu.memory_space<semaphore_mem>>) src(%arg13 : memref<4x100x64xf32, #tpu.memory_space<vmem>>) dst(%dma_wait3A_550 : memref<4x100x64xf32, #tpu.memory_space<hbm>>)
      } else {
      }
      "tpu.region"() ({
        %run_scoped3A = tpu.sem_alloc : memref<!tpu.dma_semaphore, #tpu.memory_space<semaphore_mem>>
        tpu.enqueue_dma source(%arg6 : memref<4x100x64xf32, #tpu.memory_space<vmem_shared>>) target(%arg13 : memref<4x100x64xf32, #tpu.memory_space<vmem>>) target_semaphore(%run_scoped3A : memref<!tpu.dma_semaphore, #tpu.memory_space<semaphore_mem>>)
        tpu.wait_dma2 semaphore(%run_scoped3A : memref<!tpu.dma_semaphore, #tpu.memory_space<semaphore_mem>>) src(%arg6 : memref<4x100x64xf32, #tpu.memory_space<vmem_shared>>) dst(%arg13 : memref<4x100x64xf32, #tpu.memory_space<vmem>>)
        tpu.yield
      }) : () -> ()
      %dma_start3A_308 = arith.constant 0 : i32
      %dma_start3A_309 = tpu.memref_slice %arg2[%add3A_302, %dma_start3A_308] : memref<8192x100xi32, #tpu.memory_space<hbm>> -> memref<4x100xi32, #tpu.memory_space<hbm>>
      %dma_start3A_310 = arith.constant 0 : i32
      %dma_start3A_311 = tpu.memref_slice %arg2[%add3A_302, %dma_start3A_310] : memref<8192x100xi32, #tpu.memory_space<hbm>> -> memref<4x100xi32, #tpu.memory_space<hbm>>
      tpu.enqueue_dma source(%dma_start3A_311 : memref<4x100xi32, #tpu.memory_space<hbm>>) target(%arg9 : memref<4x100xi32, #tpu.memory_space<vmem>>) target_semaphore(%arg17 : memref<!tpu.dma_semaphore, #tpu.memory_space<semaphore_mem>>)
      %sub3A_312 = arith.constant 4 : i32
      %sub3A_313 = arith.subi %add3A_302, %sub3A_312 : i32
      %dma_wait3A_314 = arith.constant 0 : i32
      %dma_wait3A_315 = tpu.memref_slice %arg2[%sub3A_313, %dma_wait3A_314] : memref<8192x100xi32, #tpu.memory_space<hbm>> -> memref<4x100xi32, #tpu.memory_space<hbm>>
      %dma_wait3A_316 = arith.constant 0 : i32
      %dma_wait3A_317 = tpu.memref_slice %arg2[%sub3A_313, %dma_wait3A_316] : memref<8192x100xi32, #tpu.memory_space<hbm>> -> memref<4x100xi32, #tpu.memory_space<hbm>>
      tpu.wait_dma2 semaphore(%arg16 : memref<!tpu.dma_semaphore, #tpu.memory_space<semaphore_mem>>) src(%dma_wait3A_317 : memref<4x100xi32, #tpu.memory_space<hbm>>) dst(%arg8 : memref<4x100xi32, #tpu.memory_space<vmem>>)
      %dma_start3A_318 = arith.constant 0 : i32
      %dma_start3A_319 = arith.constant 0 : i32
      %dma_start3A_320 = arith.constant 0 : i32
      %dma_start3A_321 = arith.constant 0 : i32
      %dma_start3A_322 = tpu.memref_slice %arg12[%dma_start3A_319, %dma_start3A_320, %dma_start3A_321] : memref<4x100x64xf32, #tpu.memory_space<vmem>> -> memref<1x100x64xf32, #tpu.memory_space<vmem>>
      %dma_start3A_323 = tpu.memref_squeeze %dma_start3A_322 : memref<1x100x64xf32, #tpu.memory_space<vmem>> -> memref<100x64xf32, #tpu.memory_space<vmem>>
      %dma_start3A_324 = arith.constant 0 : i32
      %dma_start3A_325 = tpu.memref_slice %arg8[%dma_start3A_318, %dma_start3A_324] : memref<4x100xi32, #tpu.memory_space<vmem>> -> memref<1x100xi32, #tpu.memory_space<vmem>>
      %dma_start3A_326 = tpu.memref_squeeze %dma_start3A_325 : memref<1x100xi32, #tpu.memory_space<vmem>> -> memref<100xi32, #tpu.memory_space<vmem>>
      %dma_start3A_327 = arith.constant 0 : i32
      %dma_start3A_328 = arith.constant 0 : i32
      %dma_start3A_329 = tpu.memref_slice %arg3[%dma_start3A_327, %dma_start3A_328] : memref<1000000x64xf32, #tpu.memory_space<hbm>> -> memref<1000000x64xf32, #tpu.memory_space<hbm>>
      tpu.enqueue_indirect_dma source(%dma_start3A_329 : memref<1000000x64xf32, #tpu.memory_space<hbm>>) target(%dma_start3A_323 : memref<100x64xf32, #tpu.memory_space<vmem>>) offsets(%dma_start3A_326 : memref<100xi32, #tpu.memory_space<vmem>>) semaphore(%arg20 : memref<!tpu.dma_semaphore, #tpu.memory_space<semaphore_mem>>) {add = true}
      %dma_start3A_330 = arith.constant 1 : i32
      %dma_start3A_331 = arith.constant 1 : i32
      %dma_start3A_332 = arith.constant 0 : i32
      %dma_start3A_333 = arith.constant 0 : i32
      %dma_start3A_334 = tpu.memref_slice %arg12[%dma_start3A_331, %dma_start3A_332, %dma_start3A_333] : memref<4x100x64xf32, #tpu.memory_space<vmem>> -> memref<1x100x64xf32, #tpu.memory_space<vmem>>
      %dma_start3A_335 = tpu.memref_squeeze %dma_start3A_334 : memref<1x100x64xf32, #tpu.memory_space<vmem>> -> memref<100x64xf32, #tpu.memory_space<vmem>>
      %dma_start3A_336 = arith.constant 0 : i32
      %dma_start3A_337 = tpu.memref_slice %arg8[%dma_start3A_330, %dma_start3A_336] : memref<4x100xi32, #tpu.memory_space<vmem>> -> memref<1x100xi32, #tpu.memory_space<vmem>>
      %dma_start3A_338 = tpu.memref_squeeze %dma_start3A_337 : memref<1x100xi32, #tpu.memory_space<vmem>> -> memref<100xi32, #tpu.memory_space<vmem>>
      %dma_start3A_339 = arith.constant 0 : i32
      %dma_start3A_340 = arith.constant 0 : i32
      %dma_start3A_341 = tpu.memref_slice %arg3[%dma_start3A_339, %dma_start3A_340] : memref<1000000x64xf32, #tpu.memory_space<hbm>> -> memref<1000000x64xf32, #tpu.memory_space<hbm>>
      tpu.enqueue_indirect_dma source(%dma_start3A_341 : memref<1000000x64xf32, #tpu.memory_space<hbm>>) target(%dma_start3A_335 : memref<100x64xf32, #tpu.memory_space<vmem>>) offsets(%dma_start3A_338 : memref<100xi32, #tpu.memory_space<vmem>>) semaphore(%arg20 : memref<!tpu.dma_semaphore, #tpu.memory_space<semaphore_mem>>) {add = true}
      %dma_start3A_342 = arith.constant 2 : i32
      %dma_start3A_343 = arith.constant 2 : i32
      %dma_start3A_344 = arith.constant 0 : i32
      %dma_start3A_345 = arith.constant 0 : i32
      %dma_start3A_346 = tpu.memref_slice %arg12[%dma_start3A_343, %dma_start3A_344, %dma_start3A_345] : memref<4x100x64xf32, #tpu.memory_space<vmem>> -> memref<1x100x64xf32, #tpu.memory_space<vmem>>
      %dma_start3A_347 = tpu.memref_squeeze %dma_start3A_346 : memref<1x100x64xf32, #tpu.memory_space<vmem>> -> memref<100x64xf32, #tpu.memory_space<vmem>>
      %dma_start3A_348 = arith.constant 0 : i32
      %dma_start3A_349 = tpu.memref_slice %arg8[%dma_start3A_342, %dma_start3A_348] : memref<4x100xi32, #tpu.memory_space<vmem>> -> memref<1x100xi32, #tpu.memory_space<vmem>>
      %dma_start3A_350 = tpu.memref_squeeze %dma_start3A_349 : memref<1x100xi32, #tpu.memory_space<vmem>> -> memref<100xi32, #tpu.memory_space<vmem>>
      %dma_start3A_351 = arith.constant 0 : i32
      %dma_start3A_352 = arith.constant 0 : i32
      %dma_start3A_353 = tpu.memref_slice %arg3[%dma_start3A_351, %dma_start3A_352] : memref<1000000x64xf32, #tpu.memory_space<hbm>> -> memref<1000000x64xf32, #tpu.memory_space<hbm>>
      tpu.enqueue_indirect_dma source(%dma_start3A_353 : memref<1000000x64xf32, #tpu.memory_space<hbm>>) target(%dma_start3A_347 : memref<100x64xf32, #tpu.memory_space<vmem>>) offsets(%dma_start3A_350 : memref<100xi32, #tpu.memory_space<vmem>>) semaphore(%arg20 : memref<!tpu.dma_semaphore, #tpu.memory_space<semaphore_mem>>) {add = true}
      %dma_start3A_354 = arith.constant 3 : i32
      %dma_start3A_355 = arith.constant 3 : i32
      %dma_start3A_356 = arith.constant 0 : i32
      %dma_start3A_357 = arith.constant 0 : i32
      %dma_start3A_358 = tpu.memref_slice %arg12[%dma_start3A_355, %dma_start3A_356, %dma_start3A_357] : memref<4x100x64xf32, #tpu.memory_space<vmem>> -> memref<1x100x64xf32, #tpu.memory_space<vmem>>
      %dma_start3A_359 = tpu.memref_squeeze %dma_start3A_358 : memref<1x100x64xf32, #tpu.memory_space<vmem>> -> memref<100x64xf32, #tpu.memory_space<vmem>>
      %dma_start3A_360 = arith.constant 0 : i32
      %dma_start3A_361 = tpu.memref_slice %arg8[%dma_start3A_354, %dma_start3A_360] : memref<4x100xi32, #tpu.memory_space<vmem>> -> memref<1x100xi32, #tpu.memory_space<vmem>>
      %dma_start3A_362 = tpu.memref_squeeze %dma_start3A_361 : memref<1x100xi32, #tpu.memory_space<vmem>> -> memref<100xi32, #tpu.memory_space<vmem>>
      %dma_start3A_363 = arith.constant 0 : i32
      %dma_start3A_364 = arith.constant 0 : i32
      %dma_start3A_365 = tpu.memref_slice %arg3[%dma_start3A_363, %dma_start3A_364] : memref<1000000x64xf32, #tpu.memory_space<hbm>> -> memref<1000000x64xf32, #tpu.memory_space<hbm>>
      tpu.enqueue_indirect_dma source(%dma_start3A_365 : memref<1000000x64xf32, #tpu.memory_space<hbm>>) target(%dma_start3A_359 : memref<100x64xf32, #tpu.memory_space<vmem>>) offsets(%dma_start3A_362 : memref<100xi32, #tpu.memory_space<vmem>>) semaphore(%arg20 : memref<!tpu.dma_semaphore, #tpu.memory_space<semaphore_mem>>) {add = true}
      %sub3A_366 = arith.constant 8 : i32
      %sub3A_367 = arith.subi %add3A_302, %sub3A_366 : i32
      %dma_wait3A_368 = arith.constant 0 : i32
      %dma_wait3A_369 = arith.constant 0 : i32
      %dma_wait3A_370 = arith.constant 0 : i32
      %dma_wait3A_371 = arith.constant 0 : i32
      %dma_wait3A_372 = tpu.memref_slice %arg11[%dma_wait3A_369, %dma_wait3A_370, %dma_wait3A_371] : memref<4x100x64xf32, #tpu.memory_space<vmem>> -> memref<1x100x64xf32, #tpu.memory_space<vmem>>
      %dma_wait3A_373 = tpu.memref_squeeze %dma_wait3A_372 : memref<1x100x64xf32, #tpu.memory_space<vmem>> -> memref<100x64xf32, #tpu.memory_space<vmem>>
      %dma_wait3A_374 = arith.constant 0 : i32
      %dma_wait3A_375 = tpu.memref_slice %arg7[%dma_wait3A_368, %dma_wait3A_374] : memref<4x100xi32, #tpu.memory_space<vmem>> -> memref<1x100xi32, #tpu.memory_space<vmem>>
      %dma_wait3A_376 = tpu.memref_squeeze %dma_wait3A_375 : memref<1x100xi32, #tpu.memory_space<vmem>> -> memref<100xi32, #tpu.memory_space<vmem>>
      %dma_wait3A_377 = arith.constant 0 : i32
      %dma_wait3A_378 = arith.constant 0 : i32
      %dma_wait3A_379 = tpu.memref_slice %arg3[%dma_wait3A_377, %dma_wait3A_378] : memref<1000000x64xf32, #tpu.memory_space<hbm>> -> memref<1000000x64xf32, #tpu.memory_space<hbm>>
      tpu.wait_indirect_dma semaphore(%arg19 : memref<!tpu.dma_semaphore, #tpu.memory_space<semaphore_mem>>) src(%dma_wait3A_379 : memref<1000000x64xf32, #tpu.memory_space<hbm>>) dst(%dma_wait3A_373 : memref<100x64xf32, #tpu.memory_space<vmem>>)
      %dma_wait3A_380 = arith.constant 1 : i32
      %dma_wait3A_381 = arith.constant 1 : i32
      %dma_wait3A_382 = arith.constant 0 : i32
      %dma_wait3A_383 = arith.constant 0 : i32
      %dma_wait3A_384 = tpu.memref_slice %arg11[%dma_wait3A_381, %dma_wait3A_382, %dma_wait3A_383] : memref<4x100x64xf32, #tpu.memory_space<vmem>> -> memref<1x100x64xf32, #tpu.memory_space<vmem>>
      %dma_wait3A_385 = tpu.memref_squeeze %dma_wait3A_384 : memref<1x100x64xf32, #tpu.memory_space<vmem>> -> memref<100x64xf32, #tpu.memory_space<vmem>>
      %dma_wait3A_386 = arith.constant 0 : i32
      %dma_wait3A_387 = tpu.memref_slice %arg7[%dma_wait3A_380, %dma_wait3A_386] : memref<4x100xi32, #tpu.memory_space<vmem>> -> memref<1x100xi32, #tpu.memory_space<vmem>>
      %dma_wait3A_388 = tpu.memref_squeeze %dma_wait3A_387 : memref<1x100xi32, #tpu.memory_space<vmem>> -> memref<100xi32, #tpu.memory_space<vmem>>
      %dma_wait3A_389 = arith.constant 0 : i32
      %dma_wait3A_390 = arith.constant 0 : i32
      %dma_wait3A_391 = tpu.memref_slice %arg3[%dma_wait3A_389, %dma_wait3A_390] : memref<1000000x64xf32, #tpu.memory_space<hbm>> -> memref<1000000x64xf32, #tpu.memory_space<hbm>>
      tpu.wait_indirect_dma semaphore(%arg19 : memref<!tpu.dma_semaphore, #tpu.memory_space<semaphore_mem>>) src(%dma_wait3A_391 : memref<1000000x64xf32, #tpu.memory_space<hbm>>) dst(%dma_wait3A_385 : memref<100x64xf32, #tpu.memory_space<vmem>>)
      %dma_wait3A_392 = arith.constant 2 : i32
      %dma_wait3A_393 = arith.constant 2 : i32
      %dma_wait3A_394 = arith.constant 0 : i32
      %dma_wait3A_395 = arith.constant 0 : i32
      %dma_wait3A_396 = tpu.memref_slice %arg11[%dma_wait3A_393, %dma_wait3A_394, %dma_wait3A_395] : memref<4x100x64xf32, #tpu.memory_space<vmem>> -> memref<1x100x64xf32, #tpu.memory_space<vmem>>
      %dma_wait3A_397 = tpu.memref_squeeze %dma_wait3A_396 : memref<1x100x64xf32, #tpu.memory_space<vmem>> -> memref<100x64xf32, #tpu.memory_space<vmem>>
      %dma_wait3A_398 = arith.constant 0 : i32
      %dma_wait3A_399 = tpu.memref_slice %arg7[%dma_wait3A_392, %dma_wait3A_398] : memref<4x100xi32, #tpu.memory_space<vmem>> -> memref<1x100xi32, #tpu.memory_space<vmem>>
      %dma_wait3A_400 = tpu.memref_squeeze %dma_wait3A_399 : memref<1x100xi32, #tpu.memory_space<vmem>> -> memref<100xi32, #tpu.memory_space<vmem>>
      %dma_wait3A_401 = arith.constant 0 : i32
      %dma_wait3A_402 = arith.constant 0 : i32
      %dma_wait3A_403 = tpu.memref_slice %arg3[%dma_wait3A_401, %dma_wait3A_402] : memref<1000000x64xf32, #tpu.memory_space<hbm>> -> memref<1000000x64xf32, #tpu.memory_space<hbm>>
      tpu.wait_indirect_dma semaphore(%arg19 : memref<!tpu.dma_semaphore, #tpu.memory_space<semaphore_mem>>) src(%dma_wait3A_403 : memref<1000000x64xf32, #tpu.memory_space<hbm>>) dst(%dma_wait3A_397 : memref<100x64xf32, #tpu.memory_space<vmem>>)
      %dma_wait3A_404 = arith.constant 3 : i32
      %dma_wait3A_405 = arith.constant 3 : i32
      %dma_wait3A_406 = arith.constant 0 : i32
      %dma_wait3A_407 = arith.constant 0 : i32
      %dma_wait3A_408 = tpu.memref_slice %arg11[%dma_wait3A_405, %dma_wait3A_406, %dma_wait3A_407] : memref<4x100x64xf32, #tpu.memory_space<vmem>> -> memref<1x100x64xf32, #tpu.memory_space<vmem>>
      %dma_wait3A_409 = tpu.memref_squeeze %dma_wait3A_408 : memref<1x100x64xf32, #tpu.memory_space<vmem>> -> memref<100x64xf32, #tpu.memory_space<vmem>>
      %dma_wait3A_410 = arith.constant 0 : i32
      %dma_wait3A_411 = tpu.memref_slice %arg7[%dma_wait3A_404, %dma_wait3A_410] : memref<4x100xi32, #tpu.memory_space<vmem>> -> memref<1x100xi32, #tpu.memory_space<vmem>>
      %dma_wait3A_412 = tpu.memref_squeeze %dma_wait3A_411 : memref<1x100xi32, #tpu.memory_space<vmem>> -> memref<100xi32, #tpu.memory_space<vmem>>
      %dma_wait3A_413 = arith.constant 0 : i32
      %dma_wait3A_414 = arith.constant 0 : i32
      %dma_wait3A_415 = tpu.memref_slice %arg3[%dma_wait3A_413, %dma_wait3A_414] : memref<1000000x64xf32, #tpu.memory_space<hbm>> -> memref<1000000x64xf32, #tpu.memory_space<hbm>>
      tpu.wait_indirect_dma semaphore(%arg19 : memref<!tpu.dma_semaphore, #tpu.memory_space<semaphore_mem>>) src(%dma_wait3A_415 : memref<1000000x64xf32, #tpu.memory_space<hbm>>) dst(%dma_wait3A_409 : memref<100x64xf32, #tpu.memory_space<vmem>>)
      %dma_start3A_416 = arith.constant 0 : i32
      %dma_start3A_417 = arith.constant 0 : i32
      %dma_start3A_418 = tpu.memref_slice %arg5[%sub3A_367, %dma_start3A_416, %dma_start3A_417] : memref<8192x100x64xf32, #tpu.memory_space<hbm>> -> memref<4x100x64xf32, #tpu.memory_space<hbm>>
      %dma_start3A_419 = arith.constant 0 : i32
      %dma_start3A_420 = arith.constant 0 : i32
      %dma_start3A_421 = tpu.memref_slice %arg5[%sub3A_367, %dma_start3A_419, %dma_start3A_420] : memref<8192x100x64xf32, #tpu.memory_space<hbm>> -> memref<4x100x64xf32, #tpu.memory_space<hbm>>
      tpu.enqueue_dma source(%arg11 : memref<4x100x64xf32, #tpu.memory_space<vmem>>) target(%dma_start3A_421 : memref<4x100x64xf32, #tpu.memory_space<hbm>>) target_semaphore(%arg23 : memref<!tpu.dma_semaphore, #tpu.memory_space<semaphore_mem>>)
      %add3A_422 = arith.constant 12 : i32
      %add3A_423 = arith.addi %add3A_210, %add3A_422 : i32
      %ge3A_424 = arith.constant 1 : i32
      %ge3A_425 = arith.cmpi sge, %scan3A_207, %ge3A_424 : i32
      %convert_element_type3A_426 = arith.extui %ge3A_425 : i1 to i32
      %cond3A_427 = arith.constant 0 : i32
      %cond3A_428 = arith.cmpi ne, %convert_element_type3A_426, %cond3A_427 : i32
      scf.if %cond3A_428 {
        %sub3A_543 = arith.constant 16 : i32
        %sub3A_544 = arith.subi %add3A_423, %sub3A_543 : i32
        %dma_wait3A_545 = arith.constant 0 : i32
        %dma_wait3A_546 = arith.constant 0 : i32
        %dma_wait3A_547 = tpu.memref_slice %arg5[%sub3A_544, %dma_wait3A_545, %dma_wait3A_546] : memref<8192x100x64xf32, #tpu.memory_space<hbm>> -> memref<4x100x64xf32, #tpu.memory_space<hbm>>
        %dma_wait3A_548 = arith.constant 0 : i32
        %dma_wait3A_549 = arith.constant 0 : i32
        %dma_wait3A_550 = tpu.memref_slice %arg5[%sub3A_544, %dma_wait3A_548, %dma_wait3A_549] : memref<8192x100x64xf32, #tpu.memory_space<hbm>> -> memref<4x100x64xf32, #tpu.memory_space<hbm>>
        tpu.wait_dma2 semaphore(%arg26 : memref<!tpu.dma_semaphore, #tpu.memory_space<semaphore_mem>>) src(%arg14 : memref<4x100x64xf32, #tpu.memory_space<vmem>>) dst(%dma_wait3A_550 : memref<4x100x64xf32, #tpu.memory_space<hbm>>)
      } else {
      }
      "tpu.region"() ({
        %run_scoped3A = tpu.sem_alloc : memref<!tpu.dma_semaphore, #tpu.memory_space<semaphore_mem>>
        tpu.enqueue_dma source(%arg6 : memref<4x100x64xf32, #tpu.memory_space<vmem_shared>>) target(%arg14 : memref<4x100x64xf32, #tpu.memory_space<vmem>>) target_semaphore(%run_scoped3A : memref<!tpu.dma_semaphore, #tpu.memory_space<semaphore_mem>>)
        tpu.wait_dma2 semaphore(%run_scoped3A : memref<!tpu.dma_semaphore, #tpu.memory_space<semaphore_mem>>) src(%arg6 : memref<4x100x64xf32, #tpu.memory_space<vmem_shared>>) dst(%arg14 : memref<4x100x64xf32, #tpu.memory_space<vmem>>)
        tpu.yield
      }) : () -> ()
      %dma_start3A_429 = arith.constant 0 : i32
      %dma_start3A_430 = tpu.memref_slice %arg2[%add3A_423, %dma_start3A_429] : memref<8192x100xi32, #tpu.memory_space<hbm>> -> memref<4x100xi32, #tpu.memory_space<hbm>>
      %dma_start3A_431 = arith.constant 0 : i32
      %dma_start3A_432 = tpu.memref_slice %arg2[%add3A_423, %dma_start3A_431] : memref<8192x100xi32, #tpu.memory_space<hbm>> -> memref<4x100xi32, #tpu.memory_space<hbm>>
      tpu.enqueue_dma source(%dma_start3A_432 : memref<4x100xi32, #tpu.memory_space<hbm>>) target(%arg10 : memref<4x100xi32, #tpu.memory_space<vmem>>) target_semaphore(%arg18 : memref<!tpu.dma_semaphore, #tpu.memory_space<semaphore_mem>>)
      %sub3A_433 = arith.constant 4 : i32
      %sub3A_434 = arith.subi %add3A_423, %sub3A_433 : i32
      %dma_wait3A_435 = arith.constant 0 : i32
      %dma_wait3A_436 = tpu.memref_slice %arg2[%sub3A_434, %dma_wait3A_435] : memref<8192x100xi32, #tpu.memory_space<hbm>> -> memref<4x100xi32, #tpu.memory_space<hbm>>
      %dma_wait3A_437 = arith.constant 0 : i32
      %dma_wait3A_438 = tpu.memref_slice %arg2[%sub3A_434, %dma_wait3A_437] : memref<8192x100xi32, #tpu.memory_space<hbm>> -> memref<4x100xi32, #tpu.memory_space<hbm>>
      tpu.wait_dma2 semaphore(%arg17 : memref<!tpu.dma_semaphore, #tpu.memory_space<semaphore_mem>>) src(%dma_wait3A_438 : memref<4x100xi32, #tpu.memory_space<hbm>>) dst(%arg9 : memref<4x100xi32, #tpu.memory_space<vmem>>)
      %dma_start3A_439 = arith.constant 0 : i32
      %dma_start3A_440 = arith.constant 0 : i32
      %dma_start3A_441 = arith.constant 0 : i32
      %dma_start3A_442 = arith.constant 0 : i32
      %dma_start3A_443 = tpu.memref_slice %arg13[%dma_start3A_440, %dma_start3A_441, %dma_start3A_442] : memref<4x100x64xf32, #tpu.memory_space<vmem>> -> memref<1x100x64xf32, #tpu.memory_space<vmem>>
      %dma_start3A_444 = tpu.memref_squeeze %dma_start3A_443 : memref<1x100x64xf32, #tpu.memory_space<vmem>> -> memref<100x64xf32, #tpu.memory_space<vmem>>
      %dma_start3A_445 = arith.constant 0 : i32
      %dma_start3A_446 = tpu.memref_slice %arg9[%dma_start3A_439, %dma_start3A_445] : memref<4x100xi32, #tpu.memory_space<vmem>> -> memref<1x100xi32, #tpu.memory_space<vmem>>
      %dma_start3A_447 = tpu.memref_squeeze %dma_start3A_446 : memref<1x100xi32, #tpu.memory_space<vmem>> -> memref<100xi32, #tpu.memory_space<vmem>>
      %dma_start3A_448 = arith.constant 0 : i32
      %dma_start3A_449 = arith.constant 0 : i32
      %dma_start3A_450 = tpu.memref_slice %arg3[%dma_start3A_448, %dma_start3A_449] : memref<1000000x64xf32, #tpu.memory_space<hbm>> -> memref<1000000x64xf32, #tpu.memory_space<hbm>>
      tpu.enqueue_indirect_dma source(%dma_start3A_450 : memref<1000000x64xf32, #tpu.memory_space<hbm>>) target(%dma_start3A_444 : memref<100x64xf32, #tpu.memory_space<vmem>>) offsets(%dma_start3A_447 : memref<100xi32, #tpu.memory_space<vmem>>) semaphore(%arg21 : memref<!tpu.dma_semaphore, #tpu.memory_space<semaphore_mem>>) {add = true}
      %dma_start3A_451 = arith.constant 1 : i32
      %dma_start3A_452 = arith.constant 1 : i32
      %dma_start3A_453 = arith.constant 0 : i32
      %dma_start3A_454 = arith.constant 0 : i32
      %dma_start3A_455 = tpu.memref_slice %arg13[%dma_start3A_452, %dma_start3A_453, %dma_start3A_454] : memref<4x100x64xf32, #tpu.memory_space<vmem>> -> memref<1x100x64xf32, #tpu.memory_space<vmem>>
      %dma_start3A_456 = tpu.memref_squeeze %dma_start3A_455 : memref<1x100x64xf32, #tpu.memory_space<vmem>> -> memref<100x64xf32, #tpu.memory_space<vmem>>
      %dma_start3A_457 = arith.constant 0 : i32
      %dma_start3A_458 = tpu.memref_slice %arg9[%dma_start3A_451, %dma_start3A_457] : memref<4x100xi32, #tpu.memory_space<vmem>> -> memref<1x100xi32, #tpu.memory_space<vmem>>
      %dma_start3A_459 = tpu.memref_squeeze %dma_start3A_458 : memref<1x100xi32, #tpu.memory_space<vmem>> -> memref<100xi32, #tpu.memory_space<vmem>>
      %dma_start3A_460 = arith.constant 0 : i32
      %dma_start3A_461 = arith.constant 0 : i32
      %dma_start3A_462 = tpu.memref_slice %arg3[%dma_start3A_460, %dma_start3A_461] : memref<1000000x64xf32, #tpu.memory_space<hbm>> -> memref<1000000x64xf32, #tpu.memory_space<hbm>>
      tpu.enqueue_indirect_dma source(%dma_start3A_462 : memref<1000000x64xf32, #tpu.memory_space<hbm>>) target(%dma_start3A_456 : memref<100x64xf32, #tpu.memory_space<vmem>>) offsets(%dma_start3A_459 : memref<100xi32, #tpu.memory_space<vmem>>) semaphore(%arg21 : memref<!tpu.dma_semaphore, #tpu.memory_space<semaphore_mem>>) {add = true}
      %dma_start3A_463 = arith.constant 2 : i32
      %dma_start3A_464 = arith.constant 2 : i32
      %dma_start3A_465 = arith.constant 0 : i32
      %dma_start3A_466 = arith.constant 0 : i32
      %dma_start3A_467 = tpu.memref_slice %arg13[%dma_start3A_464, %dma_start3A_465, %dma_start3A_466] : memref<4x100x64xf32, #tpu.memory_space<vmem>> -> memref<1x100x64xf32, #tpu.memory_space<vmem>>
      %dma_start3A_468 = tpu.memref_squeeze %dma_start3A_467 : memref<1x100x64xf32, #tpu.memory_space<vmem>> -> memref<100x64xf32, #tpu.memory_space<vmem>>
      %dma_start3A_469 = arith.constant 0 : i32
      %dma_start3A_470 = tpu.memref_slice %arg9[%dma_start3A_463, %dma_start3A_469] : memref<4x100xi32, #tpu.memory_space<vmem>> -> memref<1x100xi32, #tpu.memory_space<vmem>>
      %dma_start3A_471 = tpu.memref_squeeze %dma_start3A_470 : memref<1x100xi32, #tpu.memory_space<vmem>> -> memref<100xi32, #tpu.memory_space<vmem>>
      %dma_start3A_472 = arith.constant 0 : i32
      %dma_start3A_473 = arith.constant 0 : i32
      %dma_start3A_474 = tpu.memref_slice %arg3[%dma_start3A_472, %dma_start3A_473] : memref<1000000x64xf32, #tpu.memory_space<hbm>> -> memref<1000000x64xf32, #tpu.memory_space<hbm>>
      tpu.enqueue_indirect_dma source(%dma_start3A_474 : memref<1000000x64xf32, #tpu.memory_space<hbm>>) target(%dma_start3A_468 : memref<100x64xf32, #tpu.memory_space<vmem>>) offsets(%dma_start3A_471 : memref<100xi32, #tpu.memory_space<vmem>>) semaphore(%arg21 : memref<!tpu.dma_semaphore, #tpu.memory_space<semaphore_mem>>) {add = true}
      %dma_start3A_475 = arith.constant 3 : i32
      %dma_start3A_476 = arith.constant 3 : i32
      %dma_start3A_477 = arith.constant 0 : i32
      %dma_start3A_478 = arith.constant 0 : i32
      %dma_start3A_479 = tpu.memref_slice %arg13[%dma_start3A_476, %dma_start3A_477, %dma_start3A_478] : memref<4x100x64xf32, #tpu.memory_space<vmem>> -> memref<1x100x64xf32, #tpu.memory_space<vmem>>
      %dma_start3A_480 = tpu.memref_squeeze %dma_start3A_479 : memref<1x100x64xf32, #tpu.memory_space<vmem>> -> memref<100x64xf32, #tpu.memory_space<vmem>>
      %dma_start3A_481 = arith.constant 0 : i32
      %dma_start3A_482 = tpu.memref_slice %arg9[%dma_start3A_475, %dma_start3A_481] : memref<4x100xi32, #tpu.memory_space<vmem>> -> memref<1x100xi32, #tpu.memory_space<vmem>>
      %dma_start3A_483 = tpu.memref_squeeze %dma_start3A_482 : memref<1x100xi32, #tpu.memory_space<vmem>> -> memref<100xi32, #tpu.memory_space<vmem>>
      %dma_start3A_484 = arith.constant 0 : i32
      %dma_start3A_485 = arith.constant 0 : i32
      %dma_start3A_486 = tpu.memref_slice %arg3[%dma_start3A_484, %dma_start3A_485] : memref<1000000x64xf32, #tpu.memory_space<hbm>> -> memref<1000000x64xf32, #tpu.memory_space<hbm>>
      tpu.enqueue_indirect_dma source(%dma_start3A_486 : memref<1000000x64xf32, #tpu.memory_space<hbm>>) target(%dma_start3A_480 : memref<100x64xf32, #tpu.memory_space<vmem>>) offsets(%dma_start3A_483 : memref<100xi32, #tpu.memory_space<vmem>>) semaphore(%arg21 : memref<!tpu.dma_semaphore, #tpu.memory_space<semaphore_mem>>) {add = true}
      %sub3A_487 = arith.constant 8 : i32
      %sub3A_488 = arith.subi %add3A_423, %sub3A_487 : i32
      %dma_wait3A_489 = arith.constant 0 : i32
      %dma_wait3A_490 = arith.constant 0 : i32
      %dma_wait3A_491 = arith.constant 0 : i32
      %dma_wait3A_492 = arith.constant 0 : i32
      %dma_wait3A_493 = tpu.memref_slice %arg12[%dma_wait3A_490, %dma_wait3A_491, %dma_wait3A_492] : memref<4x100x64xf32, #tpu.memory_space<vmem>> -> memref<1x100x64xf32, #tpu.memory_space<vmem>>
      %dma_wait3A_494 = tpu.memref_squeeze %dma_wait3A_493 : memref<1x100x64xf32, #tpu.memory_space<vmem>> -> memref<100x64xf32, #tpu.memory_space<vmem>>
      %dma_wait3A_495 = arith.constant 0 : i32
      %dma_wait3A_496 = tpu.memref_slice %arg8[%dma_wait3A_489, %dma_wait3A_495] : memref<4x100xi32, #tpu.memory_space<vmem>> -> memref<1x100xi32, #tpu.memory_space<vmem>>
      %dma_wait3A_497 = tpu.memref_squeeze %dma_wait3A_496 : memref<1x100xi32, #tpu.memory_space<vmem>> -> memref<100xi32, #tpu.memory_space<vmem>>
      %dma_wait3A_498 = arith.constant 0 : i32
      %dma_wait3A_499 = arith.constant 0 : i32
      %dma_wait3A_500 = tpu.memref_slice %arg3[%dma_wait3A_498, %dma_wait3A_499] : memref<1000000x64xf32, #tpu.memory_space<hbm>> -> memref<1000000x64xf32, #tpu.memory_space<hbm>>
      tpu.wait_indirect_dma semaphore(%arg20 : memref<!tpu.dma_semaphore, #tpu.memory_space<semaphore_mem>>) src(%dma_wait3A_500 : memref<1000000x64xf32, #tpu.memory_space<hbm>>) dst(%dma_wait3A_494 : memref<100x64xf32, #tpu.memory_space<vmem>>)
      %dma_wait3A_501 = arith.constant 1 : i32
      %dma_wait3A_502 = arith.constant 1 : i32
      %dma_wait3A_503 = arith.constant 0 : i32
      %dma_wait3A_504 = arith.constant 0 : i32
      %dma_wait3A_505 = tpu.memref_slice %arg12[%dma_wait3A_502, %dma_wait3A_503, %dma_wait3A_504] : memref<4x100x64xf32, #tpu.memory_space<vmem>> -> memref<1x100x64xf32, #tpu.memory_space<vmem>>
      %dma_wait3A_506 = tpu.memref_squeeze %dma_wait3A_505 : memref<1x100x64xf32, #tpu.memory_space<vmem>> -> memref<100x64xf32, #tpu.memory_space<vmem>>
      %dma_wait3A_507 = arith.constant 0 : i32
      %dma_wait3A_508 = tpu.memref_slice %arg8[%dma_wait3A_501, %dma_wait3A_507] : memref<4x100xi32, #tpu.memory_space<vmem>> -> memref<1x100xi32, #tpu.memory_space<vmem>>
      %dma_wait3A_509 = tpu.memref_squeeze %dma_wait3A_508 : memref<1x100xi32, #tpu.memory_space<vmem>> -> memref<100xi32, #tpu.memory_space<vmem>>
      %dma_wait3A_510 = arith.constant 0 : i32
      %dma_wait3A_511 = arith.constant 0 : i32
      %dma_wait3A_512 = tpu.memref_slice %arg3[%dma_wait3A_510, %dma_wait3A_511] : memref<1000000x64xf32, #tpu.memory_space<hbm>> -> memref<1000000x64xf32, #tpu.memory_space<hbm>>
      tpu.wait_indirect_dma semaphore(%arg20 : memref<!tpu.dma_semaphore, #tpu.memory_space<semaphore_mem>>) src(%dma_wait3A_512 : memref<1000000x64xf32, #tpu.memory_space<hbm>>) dst(%dma_wait3A_506 : memref<100x64xf32, #tpu.memory_space<vmem>>)
      %dma_wait3A_513 = arith.constant 2 : i32
      %dma_wait3A_514 = arith.constant 2 : i32
      %dma_wait3A_515 = arith.constant 0 : i32
      %dma_wait3A_516 = arith.constant 0 : i32
      %dma_wait3A_517 = tpu.memref_slice %arg12[%dma_wait3A_514, %dma_wait3A_515, %dma_wait3A_516] : memref<4x100x64xf32, #tpu.memory_space<vmem>> -> memref<1x100x64xf32, #tpu.memory_space<vmem>>
      %dma_wait3A_518 = tpu.memref_squeeze %dma_wait3A_517 : memref<1x100x64xf32, #tpu.memory_space<vmem>> -> memref<100x64xf32, #tpu.memory_space<vmem>>
      %dma_wait3A_519 = arith.constant 0 : i32
      %dma_wait3A_520 = tpu.memref_slice %arg8[%dma_wait3A_513, %dma_wait3A_519] : memref<4x100xi32, #tpu.memory_space<vmem>> -> memref<1x100xi32, #tpu.memory_space<vmem>>
      %dma_wait3A_521 = tpu.memref_squeeze %dma_wait3A_520 : memref<1x100xi32, #tpu.memory_space<vmem>> -> memref<100xi32, #tpu.memory_space<vmem>>
      %dma_wait3A_522 = arith.constant 0 : i32
      %dma_wait3A_523 = arith.constant 0 : i32
      %dma_wait3A_524 = tpu.memref_slice %arg3[%dma_wait3A_522, %dma_wait3A_523] : memref<1000000x64xf32, #tpu.memory_space<hbm>> -> memref<1000000x64xf32, #tpu.memory_space<hbm>>
      tpu.wait_indirect_dma semaphore(%arg20 : memref<!tpu.dma_semaphore, #tpu.memory_space<semaphore_mem>>) src(%dma_wait3A_524 : memref<1000000x64xf32, #tpu.memory_space<hbm>>) dst(%dma_wait3A_518 : memref<100x64xf32, #tpu.memory_space<vmem>>)
      %dma_wait3A_525 = arith.constant 3 : i32
      %dma_wait3A_526 = arith.constant 3 : i32
      %dma_wait3A_527 = arith.constant 0 : i32
      %dma_wait3A_528 = arith.constant 0 : i32
      %dma_wait3A_529 = tpu.memref_slice %arg12[%dma_wait3A_526, %dma_wait3A_527, %dma_wait3A_528] : memref<4x100x64xf32, #tpu.memory_space<vmem>> -> memref<1x100x64xf32, #tpu.memory_space<vmem>>
      %dma_wait3A_530 = tpu.memref_squeeze %dma_wait3A_529 : memref<1x100x64xf32, #tpu.memory_space<vmem>> -> memref<100x64xf32, #tpu.memory_space<vmem>>
      %dma_wait3A_531 = arith.constant 0 : i32
      %dma_wait3A_532 = tpu.memref_slice %arg8[%dma_wait3A_525, %dma_wait3A_531] : memref<4x100xi32, #tpu.memory_space<vmem>> -> memref<1x100xi32, #tpu.memory_space<vmem>>
      %dma_wait3A_533 = tpu.memref_squeeze %dma_wait3A_532 : memref<1x100xi32, #tpu.memory_space<vmem>> -> memref<100xi32, #tpu.memory_space<vmem>>
      %dma_wait3A_534 = arith.constant 0 : i32
      %dma_wait3A_535 = arith.constant 0 : i32
      %dma_wait3A_536 = tpu.memref_slice %arg3[%dma_wait3A_534, %dma_wait3A_535] : memref<1000000x64xf32, #tpu.memory_space<hbm>> -> memref<1000000x64xf32, #tpu.memory_space<hbm>>
      tpu.wait_indirect_dma semaphore(%arg20 : memref<!tpu.dma_semaphore, #tpu.memory_space<semaphore_mem>>) src(%dma_wait3A_536 : memref<1000000x64xf32, #tpu.memory_space<hbm>>) dst(%dma_wait3A_530 : memref<100x64xf32, #tpu.memory_space<vmem>>)
      %dma_start3A_537 = arith.constant 0 : i32
      %dma_start3A_538 = arith.constant 0 : i32
      %dma_start3A_539 = tpu.memref_slice %arg5[%sub3A_488, %dma_start3A_537, %dma_start3A_538] : memref<8192x100x64xf32, #tpu.memory_space<hbm>> -> memref<4x100x64xf32, #tpu.memory_space<hbm>>
      %dma_start3A_540 = arith.constant 0 : i32
      %dma_start3A_541 = arith.constant 0 : i32
      %dma_start3A_542 = tpu.memref_slice %arg5[%sub3A_488, %dma_start3A_540, %dma_start3A_541] : memref<8192x100x64xf32, #tpu.memory_space<hbm>> -> memref<4x100x64xf32, #tpu.memory_space<hbm>>
      tpu.enqueue_dma source(%arg12 : memref<4x100x64xf32, #tpu.memory_space<vmem>>) target(%dma_start3A_542 : memref<4x100x64xf32, #tpu.memory_space<hbm>>) target_semaphore(%arg24 : memref<!tpu.dma_semaphore, #tpu.memory_space<semaphore_mem>>)
    }
    %scan3A_9 = arith.constant 16 : i32
    %add3A_10 = arith.constant 256 : i32
    %add3A_11 = arith.addi %mul3A_2, %add3A_10 : i32
    %sub3A = arith.constant 4 : i32
    %sub3A_12 = arith.subi %add3A_11, %sub3A : i32
    %dma_wait3A = arith.constant 0 : i32
    %dma_wait3A_13 = tpu.memref_slice %arg2[%sub3A_12, %dma_wait3A] : memref<8192x100xi32, #tpu.memory_space<hbm>> -> memref<4x100xi32, #tpu.memory_space<hbm>>
    %dma_wait3A_14 = arith.constant 0 : i32
    %dma_wait3A_15 = tpu.memref_slice %arg2[%sub3A_12, %dma_wait3A_14] : memref<8192x100xi32, #tpu.memory_space<hbm>> -> memref<4x100xi32, #tpu.memory_space<hbm>>
    tpu.wait_dma2 semaphore(%arg18 : memref<!tpu.dma_semaphore, #tpu.memory_space<semaphore_mem>>) src(%dma_wait3A_15 : memref<4x100xi32, #tpu.memory_space<hbm>>) dst(%arg10 : memref<4x100xi32, #tpu.memory_space<vmem>>)
    %dma_start3A = arith.constant 0 : i32
    %dma_start3A_16 = arith.constant 0 : i32
    %dma_start3A_17 = arith.constant 0 : i32
    %dma_start3A_18 = arith.constant 0 : i32
    %dma_start3A_19 = tpu.memref_slice %arg14[%dma_start3A_16, %dma_start3A_17, %dma_start3A_18] : memref<4x100x64xf32, #tpu.memory_space<vmem>> -> memref<1x100x64xf32, #tpu.memory_space<vmem>>
    %dma_start3A_20 = tpu.memref_squeeze %dma_start3A_19 : memref<1x100x64xf32, #tpu.memory_space<vmem>> -> memref<100x64xf32, #tpu.memory_space<vmem>>
    %dma_start3A_21 = arith.constant 0 : i32
    %dma_start3A_22 = tpu.memref_slice %arg10[%dma_start3A, %dma_start3A_21] : memref<4x100xi32, #tpu.memory_space<vmem>> -> memref<1x100xi32, #tpu.memory_space<vmem>>
    %dma_start3A_23 = tpu.memref_squeeze %dma_start3A_22 : memref<1x100xi32, #tpu.memory_space<vmem>> -> memref<100xi32, #tpu.memory_space<vmem>>
    %dma_start3A_24 = arith.constant 0 : i32
    %dma_start3A_25 = arith.constant 0 : i32
    %dma_start3A_26 = tpu.memref_slice %arg3[%dma_start3A_24, %dma_start3A_25] : memref<1000000x64xf32, #tpu.memory_space<hbm>> -> memref<1000000x64xf32, #tpu.memory_space<hbm>>
    tpu.enqueue_indirect_dma source(%dma_start3A_26 : memref<1000000x64xf32, #tpu.memory_space<hbm>>) target(%dma_start3A_20 : memref<100x64xf32, #tpu.memory_space<vmem>>) offsets(%dma_start3A_23 : memref<100xi32, #tpu.memory_space<vmem>>) semaphore(%arg22 : memref<!tpu.dma_semaphore, #tpu.memory_space<semaphore_mem>>) {add = true}
    %dma_start3A_27 = arith.constant 1 : i32
    %dma_start3A_28 = arith.constant 1 : i32
    %dma_start3A_29 = arith.constant 0 : i32
    %dma_start3A_30 = arith.constant 0 : i32
    %dma_start3A_31 = tpu.memref_slice %arg14[%dma_start3A_28, %dma_start3A_29, %dma_start3A_30] : memref<4x100x64xf32, #tpu.memory_space<vmem>> -> memref<1x100x64xf32, #tpu.memory_space<vmem>>
    %dma_start3A_32 = tpu.memref_squeeze %dma_start3A_31 : memref<1x100x64xf32, #tpu.memory_space<vmem>> -> memref<100x64xf32, #tpu.memory_space<vmem>>
    %dma_start3A_33 = arith.constant 0 : i32
    %dma_start3A_34 = tpu.memref_slice %arg10[%dma_start3A_27, %dma_start3A_33] : memref<4x100xi32, #tpu.memory_space<vmem>> -> memref<1x100xi32, #tpu.memory_space<vmem>>
    %dma_start3A_35 = tpu.memref_squeeze %dma_start3A_34 : memref<1x100xi32, #tpu.memory_space<vmem>> -> memref<100xi32, #tpu.memory_space<vmem>>
    %dma_start3A_36 = arith.constant 0 : i32
    %dma_start3A_37 = arith.constant 0 : i32
    %dma_start3A_38 = tpu.memref_slice %arg3[%dma_start3A_36, %dma_start3A_37] : memref<1000000x64xf32, #tpu.memory_space<hbm>> -> memref<1000000x64xf32, #tpu.memory_space<hbm>>
    tpu.enqueue_indirect_dma source(%dma_start3A_38 : memref<1000000x64xf32, #tpu.memory_space<hbm>>) target(%dma_start3A_32 : memref<100x64xf32, #tpu.memory_space<vmem>>) offsets(%dma_start3A_35 : memref<100xi32, #tpu.memory_space<vmem>>) semaphore(%arg22 : memref<!tpu.dma_semaphore, #tpu.memory_space<semaphore_mem>>) {add = true}
    %dma_start3A_39 = arith.constant 2 : i32
    %dma_start3A_40 = arith.constant 2 : i32
    %dma_start3A_41 = arith.constant 0 : i32
    %dma_start3A_42 = arith.constant 0 : i32
    %dma_start3A_43 = tpu.memref_slice %arg14[%dma_start3A_40, %dma_start3A_41, %dma_start3A_42] : memref<4x100x64xf32, #tpu.memory_space<vmem>> -> memref<1x100x64xf32, #tpu.memory_space<vmem>>
    %dma_start3A_44 = tpu.memref_squeeze %dma_start3A_43 : memref<1x100x64xf32, #tpu.memory_space<vmem>> -> memref<100x64xf32, #tpu.memory_space<vmem>>
    %dma_start3A_45 = arith.constant 0 : i32
    %dma_start3A_46 = tpu.memref_slice %arg10[%dma_start3A_39, %dma_start3A_45] : memref<4x100xi32, #tpu.memory_space<vmem>> -> memref<1x100xi32, #tpu.memory_space<vmem>>
    %dma_start3A_47 = tpu.memref_squeeze %dma_start3A_46 : memref<1x100xi32, #tpu.memory_space<vmem>> -> memref<100xi32, #tpu.memory_space<vmem>>
    %dma_start3A_48 = arith.constant 0 : i32
    %dma_start3A_49 = arith.constant 0 : i32
    %dma_start3A_50 = tpu.memref_slice %arg3[%dma_start3A_48, %dma_start3A_49] : memref<1000000x64xf32, #tpu.memory_space<hbm>> -> memref<1000000x64xf32, #tpu.memory_space<hbm>>
    tpu.enqueue_indirect_dma source(%dma_start3A_50 : memref<1000000x64xf32, #tpu.memory_space<hbm>>) target(%dma_start3A_44 : memref<100x64xf32, #tpu.memory_space<vmem>>) offsets(%dma_start3A_47 : memref<100xi32, #tpu.memory_space<vmem>>) semaphore(%arg22 : memref<!tpu.dma_semaphore, #tpu.memory_space<semaphore_mem>>) {add = true}
    %dma_start3A_51 = arith.constant 3 : i32
    %dma_start3A_52 = arith.constant 3 : i32
    %dma_start3A_53 = arith.constant 0 : i32
    %dma_start3A_54 = arith.constant 0 : i32
    %dma_start3A_55 = tpu.memref_slice %arg14[%dma_start3A_52, %dma_start3A_53, %dma_start3A_54] : memref<4x100x64xf32, #tpu.memory_space<vmem>> -> memref<1x100x64xf32, #tpu.memory_space<vmem>>
    %dma_start3A_56 = tpu.memref_squeeze %dma_start3A_55 : memref<1x100x64xf32, #tpu.memory_space<vmem>> -> memref<100x64xf32, #tpu.memory_space<vmem>>
    %dma_start3A_57 = arith.constant 0 : i32
    %dma_start3A_58 = tpu.memref_slice %arg10[%dma_start3A_51, %dma_start3A_57] : memref<4x100xi32, #tpu.memory_space<vmem>> -> memref<1x100xi32, #tpu.memory_space<vmem>>
    %dma_start3A_59 = tpu.memref_squeeze %dma_start3A_58 : memref<1x100xi32, #tpu.memory_space<vmem>> -> memref<100xi32, #tpu.memory_space<vmem>>
    %dma_start3A_60 = arith.constant 0 : i32
    %dma_start3A_61 = arith.constant 0 : i32
    %dma_start3A_62 = tpu.memref_slice %arg3[%dma_start3A_60, %dma_start3A_61] : memref<1000000x64xf32, #tpu.memory_space<hbm>> -> memref<1000000x64xf32, #tpu.memory_space<hbm>>
    tpu.enqueue_indirect_dma source(%dma_start3A_62 : memref<1000000x64xf32, #tpu.memory_space<hbm>>) target(%dma_start3A_56 : memref<100x64xf32, #tpu.memory_space<vmem>>) offsets(%dma_start3A_59 : memref<100xi32, #tpu.memory_space<vmem>>) semaphore(%arg22 : memref<!tpu.dma_semaphore, #tpu.memory_space<semaphore_mem>>) {add = true}
    %sub3A_63 = arith.constant 8 : i32
    %sub3A_64 = arith.subi %add3A_11, %sub3A_63 : i32
    %dma_wait3A_65 = arith.constant 0 : i32
    %dma_wait3A_66 = arith.constant 0 : i32
    %dma_wait3A_67 = arith.constant 0 : i32
    %dma_wait3A_68 = arith.constant 0 : i32
    %dma_wait3A_69 = tpu.memref_slice %arg13[%dma_wait3A_66, %dma_wait3A_67, %dma_wait3A_68] : memref<4x100x64xf32, #tpu.memory_space<vmem>> -> memref<1x100x64xf32, #tpu.memory_space<vmem>>
    %dma_wait3A_70 = tpu.memref_squeeze %dma_wait3A_69 : memref<1x100x64xf32, #tpu.memory_space<vmem>> -> memref<100x64xf32, #tpu.memory_space<vmem>>
    %dma_wait3A_71 = arith.constant 0 : i32
    %dma_wait3A_72 = tpu.memref_slice %arg9[%dma_wait3A_65, %dma_wait3A_71] : memref<4x100xi32, #tpu.memory_space<vmem>> -> memref<1x100xi32, #tpu.memory_space<vmem>>
    %dma_wait3A_73 = tpu.memref_squeeze %dma_wait3A_72 : memref<1x100xi32, #tpu.memory_space<vmem>> -> memref<100xi32, #tpu.memory_space<vmem>>
    %dma_wait3A_74 = arith.constant 0 : i32
    %dma_wait3A_75 = arith.constant 0 : i32
    %dma_wait3A_76 = tpu.memref_slice %arg3[%dma_wait3A_74, %dma_wait3A_75] : memref<1000000x64xf32, #tpu.memory_space<hbm>> -> memref<1000000x64xf32, #tpu.memory_space<hbm>>
    tpu.wait_indirect_dma semaphore(%arg21 : memref<!tpu.dma_semaphore, #tpu.memory_space<semaphore_mem>>) src(%dma_wait3A_76 : memref<1000000x64xf32, #tpu.memory_space<hbm>>) dst(%dma_wait3A_70 : memref<100x64xf32, #tpu.memory_space<vmem>>)
    %dma_wait3A_77 = arith.constant 1 : i32
    %dma_wait3A_78 = arith.constant 1 : i32
    %dma_wait3A_79 = arith.constant 0 : i32
    %dma_wait3A_80 = arith.constant 0 : i32
    %dma_wait3A_81 = tpu.memref_slice %arg13[%dma_wait3A_78, %dma_wait3A_79, %dma_wait3A_80] : memref<4x100x64xf32, #tpu.memory_space<vmem>> -> memref<1x100x64xf32, #tpu.memory_space<vmem>>
    %dma_wait3A_82 = tpu.memref_squeeze %dma_wait3A_81 : memref<1x100x64xf32, #tpu.memory_space<vmem>> -> memref<100x64xf32, #tpu.memory_space<vmem>>
    %dma_wait3A_83 = arith.constant 0 : i32
    %dma_wait3A_84 = tpu.memref_slice %arg9[%dma_wait3A_77, %dma_wait3A_83] : memref<4x100xi32, #tpu.memory_space<vmem>> -> memref<1x100xi32, #tpu.memory_space<vmem>>
    %dma_wait3A_85 = tpu.memref_squeeze %dma_wait3A_84 : memref<1x100xi32, #tpu.memory_space<vmem>> -> memref<100xi32, #tpu.memory_space<vmem>>
    %dma_wait3A_86 = arith.constant 0 : i32
    %dma_wait3A_87 = arith.constant 0 : i32
    %dma_wait3A_88 = tpu.memref_slice %arg3[%dma_wait3A_86, %dma_wait3A_87] : memref<1000000x64xf32, #tpu.memory_space<hbm>> -> memref<1000000x64xf32, #tpu.memory_space<hbm>>
    tpu.wait_indirect_dma semaphore(%arg21 : memref<!tpu.dma_semaphore, #tpu.memory_space<semaphore_mem>>) src(%dma_wait3A_88 : memref<1000000x64xf32, #tpu.memory_space<hbm>>) dst(%dma_wait3A_82 : memref<100x64xf32, #tpu.memory_space<vmem>>)
    %dma_wait3A_89 = arith.constant 2 : i32
    %dma_wait3A_90 = arith.constant 2 : i32
    %dma_wait3A_91 = arith.constant 0 : i32
    %dma_wait3A_92 = arith.constant 0 : i32
    %dma_wait3A_93 = tpu.memref_slice %arg13[%dma_wait3A_90, %dma_wait3A_91, %dma_wait3A_92] : memref<4x100x64xf32, #tpu.memory_space<vmem>> -> memref<1x100x64xf32, #tpu.memory_space<vmem>>
    %dma_wait3A_94 = tpu.memref_squeeze %dma_wait3A_93 : memref<1x100x64xf32, #tpu.memory_space<vmem>> -> memref<100x64xf32, #tpu.memory_space<vmem>>
    %dma_wait3A_95 = arith.constant 0 : i32
    %dma_wait3A_96 = tpu.memref_slice %arg9[%dma_wait3A_89, %dma_wait3A_95] : memref<4x100xi32, #tpu.memory_space<vmem>> -> memref<1x100xi32, #tpu.memory_space<vmem>>
    %dma_wait3A_97 = tpu.memref_squeeze %dma_wait3A_96 : memref<1x100xi32, #tpu.memory_space<vmem>> -> memref<100xi32, #tpu.memory_space<vmem>>
    %dma_wait3A_98 = arith.constant 0 : i32
    %dma_wait3A_99 = arith.constant 0 : i32
    %dma_wait3A_100 = tpu.memref_slice %arg3[%dma_wait3A_98, %dma_wait3A_99] : memref<1000000x64xf32, #tpu.memory_space<hbm>> -> memref<1000000x64xf32, #tpu.memory_space<hbm>>
    tpu.wait_indirect_dma semaphore(%arg21 : memref<!tpu.dma_semaphore, #tpu.memory_space<semaphore_mem>>) src(%dma_wait3A_100 : memref<1000000x64xf32, #tpu.memory_space<hbm>>) dst(%dma_wait3A_94 : memref<100x64xf32, #tpu.memory_space<vmem>>)
    %dma_wait3A_101 = arith.constant 3 : i32
    %dma_wait3A_102 = arith.constant 3 : i32
    %dma_wait3A_103 = arith.constant 0 : i32
    %dma_wait3A_104 = arith.constant 0 : i32
    %dma_wait3A_105 = tpu.memref_slice %arg13[%dma_wait3A_102, %dma_wait3A_103, %dma_wait3A_104] : memref<4x100x64xf32, #tpu.memory_space<vmem>> -> memref<1x100x64xf32, #tpu.memory_space<vmem>>
    %dma_wait3A_106 = tpu.memref_squeeze %dma_wait3A_105 : memref<1x100x64xf32, #tpu.memory_space<vmem>> -> memref<100x64xf32, #tpu.memory_space<vmem>>
    %dma_wait3A_107 = arith.constant 0 : i32
    %dma_wait3A_108 = tpu.memref_slice %arg9[%dma_wait3A_101, %dma_wait3A_107] : memref<4x100xi32, #tpu.memory_space<vmem>> -> memref<1x100xi32, #tpu.memory_space<vmem>>
    %dma_wait3A_109 = tpu.memref_squeeze %dma_wait3A_108 : memref<1x100xi32, #tpu.memory_space<vmem>> -> memref<100xi32, #tpu.memory_space<vmem>>
    %dma_wait3A_110 = arith.constant 0 : i32
    %dma_wait3A_111 = arith.constant 0 : i32
    %dma_wait3A_112 = tpu.memref_slice %arg3[%dma_wait3A_110, %dma_wait3A_111] : memref<1000000x64xf32, #tpu.memory_space<hbm>> -> memref<1000000x64xf32, #tpu.memory_space<hbm>>
    tpu.wait_indirect_dma semaphore(%arg21 : memref<!tpu.dma_semaphore, #tpu.memory_space<semaphore_mem>>) src(%dma_wait3A_112 : memref<1000000x64xf32, #tpu.memory_space<hbm>>) dst(%dma_wait3A_106 : memref<100x64xf32, #tpu.memory_space<vmem>>)
    %dma_start3A_113 = arith.constant 0 : i32
    %dma_start3A_114 = arith.constant 0 : i32
    %dma_start3A_115 = tpu.memref_slice %arg5[%sub3A_64, %dma_start3A_113, %dma_start3A_114] : memref<8192x100x64xf32, #tpu.memory_space<hbm>> -> memref<4x100x64xf32, #tpu.memory_space<hbm>>
    %dma_start3A_116 = arith.constant 0 : i32
    %dma_start3A_117 = arith.constant 0 : i32
    %dma_start3A_118 = tpu.memref_slice %arg5[%sub3A_64, %dma_start3A_116, %dma_start3A_117] : memref<8192x100x64xf32, #tpu.memory_space<hbm>> -> memref<4x100x64xf32, #tpu.memory_space<hbm>>
    tpu.enqueue_dma source(%arg13 : memref<4x100x64xf32, #tpu.memory_space<vmem>>) target(%dma_start3A_118 : memref<4x100x64xf32, #tpu.memory_space<hbm>>) target_semaphore(%arg25 : memref<!tpu.dma_semaphore, #tpu.memory_space<semaphore_mem>>)
    %sub3A_119 = arith.constant 4 : i32
    %sub3A_120 = arith.subi %add3A_11, %sub3A_119 : i32
    %dma_wait3A_121 = arith.constant 0 : i32
    %dma_wait3A_122 = arith.constant 0 : i32
    %dma_wait3A_123 = arith.constant 0 : i32
    %dma_wait3A_124 = arith.constant 0 : i32
    %dma_wait3A_125 = tpu.memref_slice %arg14[%dma_wait3A_122, %dma_wait3A_123, %dma_wait3A_124] : memref<4x100x64xf32, #tpu.memory_space<vmem>> -> memref<1x100x64xf32, #tpu.memory_space<vmem>>
    %dma_wait3A_126 = tpu.memref_squeeze %dma_wait3A_125 : memref<1x100x64xf32, #tpu.memory_space<vmem>> -> memref<100x64xf32, #tpu.memory_space<vmem>>
    %dma_wait3A_127 = arith.constant 0 : i32
    %dma_wait3A_128 = tpu.memref_slice %arg10[%dma_wait3A_121, %dma_wait3A_127] : memref<4x100xi32, #tpu.memory_space<vmem>> -> memref<1x100xi32, #tpu.memory_space<vmem>>
    %dma_wait3A_129 = tpu.memref_squeeze %dma_wait3A_128 : memref<1x100xi32, #tpu.memory_space<vmem>> -> memref<100xi32, #tpu.memory_space<vmem>>
    %dma_wait3A_130 = arith.constant 0 : i32
    %dma_wait3A_131 = arith.constant 0 : i32
    %dma_wait3A_132 = tpu.memref_slice %arg3[%dma_wait3A_130, %dma_wait3A_131] : memref<1000000x64xf32, #tpu.memory_space<hbm>> -> memref<1000000x64xf32, #tpu.memory_space<hbm>>
    tpu.wait_indirect_dma semaphore(%arg22 : memref<!tpu.dma_semaphore, #tpu.memory_space<semaphore_mem>>) src(%dma_wait3A_132 : memref<1000000x64xf32, #tpu.memory_space<hbm>>) dst(%dma_wait3A_126 : memref<100x64xf32, #tpu.memory_space<vmem>>)
    %dma_wait3A_133 = arith.constant 1 : i32
    %dma_wait3A_134 = arith.constant 1 : i32
    %dma_wait3A_135 = arith.constant 0 : i32
    %dma_wait3A_136 = arith.constant 0 : i32
    %dma_wait3A_137 = tpu.memref_slice %arg14[%dma_wait3A_134, %dma_wait3A_135, %dma_wait3A_136] : memref<4x100x64xf32, #tpu.memory_space<vmem>> -> memref<1x100x64xf32, #tpu.memory_space<vmem>>
    %dma_wait3A_138 = tpu.memref_squeeze %dma_wait3A_137 : memref<1x100x64xf32, #tpu.memory_space<vmem>> -> memref<100x64xf32, #tpu.memory_space<vmem>>
    %dma_wait3A_139 = arith.constant 0 : i32
    %dma_wait3A_140 = tpu.memref_slice %arg10[%dma_wait3A_133, %dma_wait3A_139] : memref<4x100xi32, #tpu.memory_space<vmem>> -> memref<1x100xi32, #tpu.memory_space<vmem>>
    %dma_wait3A_141 = tpu.memref_squeeze %dma_wait3A_140 : memref<1x100xi32, #tpu.memory_space<vmem>> -> memref<100xi32, #tpu.memory_space<vmem>>
    %dma_wait3A_142 = arith.constant 0 : i32
    %dma_wait3A_143 = arith.constant 0 : i32
    %dma_wait3A_144 = tpu.memref_slice %arg3[%dma_wait3A_142, %dma_wait3A_143] : memref<1000000x64xf32, #tpu.memory_space<hbm>> -> memref<1000000x64xf32, #tpu.memory_space<hbm>>
    tpu.wait_indirect_dma semaphore(%arg22 : memref<!tpu.dma_semaphore, #tpu.memory_space<semaphore_mem>>) src(%dma_wait3A_144 : memref<1000000x64xf32, #tpu.memory_space<hbm>>) dst(%dma_wait3A_138 : memref<100x64xf32, #tpu.memory_space<vmem>>)
    %dma_wait3A_145 = arith.constant 2 : i32
    %dma_wait3A_146 = arith.constant 2 : i32
    %dma_wait3A_147 = arith.constant 0 : i32
    %dma_wait3A_148 = arith.constant 0 : i32
    %dma_wait3A_149 = tpu.memref_slice %arg14[%dma_wait3A_146, %dma_wait3A_147, %dma_wait3A_148] : memref<4x100x64xf32, #tpu.memory_space<vmem>> -> memref<1x100x64xf32, #tpu.memory_space<vmem>>
    %dma_wait3A_150 = tpu.memref_squeeze %dma_wait3A_149 : memref<1x100x64xf32, #tpu.memory_space<vmem>> -> memref<100x64xf32, #tpu.memory_space<vmem>>
    %dma_wait3A_151 = arith.constant 0 : i32
    %dma_wait3A_152 = tpu.memref_slice %arg10[%dma_wait3A_145, %dma_wait3A_151] : memref<4x100xi32, #tpu.memory_space<vmem>> -> memref<1x100xi32, #tpu.memory_space<vmem>>
    %dma_wait3A_153 = tpu.memref_squeeze %dma_wait3A_152 : memref<1x100xi32, #tpu.memory_space<vmem>> -> memref<100xi32, #tpu.memory_space<vmem>>
    %dma_wait3A_154 = arith.constant 0 : i32
    %dma_wait3A_155 = arith.constant 0 : i32
    %dma_wait3A_156 = tpu.memref_slice %arg3[%dma_wait3A_154, %dma_wait3A_155] : memref<1000000x64xf32, #tpu.memory_space<hbm>> -> memref<1000000x64xf32, #tpu.memory_space<hbm>>
    tpu.wait_indirect_dma semaphore(%arg22 : memref<!tpu.dma_semaphore, #tpu.memory_space<semaphore_mem>>) src(%dma_wait3A_156 : memref<1000000x64xf32, #tpu.memory_space<hbm>>) dst(%dma_wait3A_150 : memref<100x64xf32, #tpu.memory_space<vmem>>)
    %dma_wait3A_157 = arith.constant 3 : i32
    %dma_wait3A_158 = arith.constant 3 : i32
    %dma_wait3A_159 = arith.constant 0 : i32
    %dma_wait3A_160 = arith.constant 0 : i32
    %dma_wait3A_161 = tpu.memref_slice %arg14[%dma_wait3A_158, %dma_wait3A_159, %dma_wait3A_160] : memref<4x100x64xf32, #tpu.memory_space<vmem>> -> memref<1x100x64xf32, #tpu.memory_space<vmem>>
    %dma_wait3A_162 = tpu.memref_squeeze %dma_wait3A_161 : memref<1x100x64xf32, #tpu.memory_space<vmem>> -> memref<100x64xf32, #tpu.memory_space<vmem>>
    %dma_wait3A_163 = arith.constant 0 : i32
    %dma_wait3A_164 = tpu.memref_slice %arg10[%dma_wait3A_157, %dma_wait3A_163] : memref<4x100xi32, #tpu.memory_space<vmem>> -> memref<1x100xi32, #tpu.memory_space<vmem>>
    %dma_wait3A_165 = tpu.memref_squeeze %dma_wait3A_164 : memref<1x100xi32, #tpu.memory_space<vmem>> -> memref<100xi32, #tpu.memory_space<vmem>>
    %dma_wait3A_166 = arith.constant 0 : i32
    %dma_wait3A_167 = arith.constant 0 : i32
    %dma_wait3A_168 = tpu.memref_slice %arg3[%dma_wait3A_166, %dma_wait3A_167] : memref<1000000x64xf32, #tpu.memory_space<hbm>> -> memref<1000000x64xf32, #tpu.memory_space<hbm>>
    tpu.wait_indirect_dma semaphore(%arg22 : memref<!tpu.dma_semaphore, #tpu.memory_space<semaphore_mem>>) src(%dma_wait3A_168 : memref<1000000x64xf32, #tpu.memory_space<hbm>>) dst(%dma_wait3A_162 : memref<100x64xf32, #tpu.memory_space<vmem>>)
    %dma_start3A_169 = arith.constant 0 : i32
    %dma_start3A_170 = arith.constant 0 : i32
    %dma_start3A_171 = tpu.memref_slice %arg5[%sub3A_120, %dma_start3A_169, %dma_start3A_170] : memref<8192x100x64xf32, #tpu.memory_space<hbm>> -> memref<4x100x64xf32, #tpu.memory_space<hbm>>
    %dma_start3A_172 = arith.constant 0 : i32
    %dma_start3A_173 = arith.constant 0 : i32
    %dma_start3A_174 = tpu.memref_slice %arg5[%sub3A_120, %dma_start3A_172, %dma_start3A_173] : memref<8192x100x64xf32, #tpu.memory_space<hbm>> -> memref<4x100x64xf32, #tpu.memory_space<hbm>>
    tpu.enqueue_dma source(%arg14 : memref<4x100x64xf32, #tpu.memory_space<vmem>>) target(%dma_start3A_174 : memref<4x100x64xf32, #tpu.memory_space<hbm>>) target_semaphore(%arg26 : memref<!tpu.dma_semaphore, #tpu.memory_space<semaphore_mem>>)
    %sub3A_175 = arith.constant 16 : i32
    %sub3A_176 = arith.subi %add3A_11, %sub3A_175 : i32
    %dma_wait3A_177 = arith.constant 0 : i32
    %dma_wait3A_178 = arith.constant 0 : i32
    %dma_wait3A_179 = tpu.memref_slice %arg5[%sub3A_176, %dma_wait3A_177, %dma_wait3A_178] : memref<8192x100x64xf32, #tpu.memory_space<hbm>> -> memref<4x100x64xf32, #tpu.memory_space<hbm>>
    %dma_wait3A_180 = arith.constant 0 : i32
    %dma_wait3A_181 = arith.constant 0 : i32
    %dma_wait3A_182 = tpu.memref_slice %arg5[%sub3A_176, %dma_wait3A_180, %dma_wait3A_181] : memref<8192x100x64xf32, #tpu.memory_space<hbm>> -> memref<4x100x64xf32, #tpu.memory_space<hbm>>
    tpu.wait_dma2 semaphore(%arg23 : memref<!tpu.dma_semaphore, #tpu.memory_space<semaphore_mem>>) src(%arg11 : memref<4x100x64xf32, #tpu.memory_space<vmem>>) dst(%dma_wait3A_182 : memref<4x100x64xf32, #tpu.memory_space<hbm>>)
    %sub3A_183 = arith.constant 12 : i32
    %sub3A_184 = arith.subi %add3A_11, %sub3A_183 : i32
    %dma_wait3A_185 = arith.constant 0 : i32
    %dma_wait3A_186 = arith.constant 0 : i32
    %dma_wait3A_187 = tpu.memref_slice %arg5[%sub3A_184, %dma_wait3A_185, %dma_wait3A_186] : memref<8192x100x64xf32, #tpu.memory_space<hbm>> -> memref<4x100x64xf32, #tpu.memory_space<hbm>>
    %dma_wait3A_188 = arith.constant 0 : i32
    %dma_wait3A_189 = arith.constant 0 : i32
    %dma_wait3A_190 = tpu.memref_slice %arg5[%sub3A_184, %dma_wait3A_188, %dma_wait3A_189] : memref<8192x100x64xf32, #tpu.memory_space<hbm>> -> memref<4x100x64xf32, #tpu.memory_space<hbm>>
    tpu.wait_dma2 semaphore(%arg24 : memref<!tpu.dma_semaphore, #tpu.memory_space<semaphore_mem>>) src(%arg12 : memref<4x100x64xf32, #tpu.memory_space<vmem>>) dst(%dma_wait3A_190 : memref<4x100x64xf32, #tpu.memory_space<hbm>>)
    %sub3A_191 = arith.constant 8 : i32
    %sub3A_192 = arith.subi %add3A_11, %sub3A_191 : i32
    %dma_wait3A_193 = arith.constant 0 : i32
    %dma_wait3A_194 = arith.constant 0 : i32
    %dma_wait3A_195 = tpu.memref_slice %arg5[%sub3A_192, %dma_wait3A_193, %dma_wait3A_194] : memref<8192x100x64xf32, #tpu.memory_space<hbm>> -> memref<4x100x64xf32, #tpu.memory_space<hbm>>
    %dma_wait3A_196 = arith.constant 0 : i32
    %dma_wait3A_197 = arith.constant 0 : i32
    %dma_wait3A_198 = tpu.memref_slice %arg5[%sub3A_192, %dma_wait3A_196, %dma_wait3A_197] : memref<8192x100x64xf32, #tpu.memory_space<hbm>> -> memref<4x100x64xf32, #tpu.memory_space<hbm>>
    tpu.wait_dma2 semaphore(%arg25 : memref<!tpu.dma_semaphore, #tpu.memory_space<semaphore_mem>>) src(%arg13 : memref<4x100x64xf32, #tpu.memory_space<vmem>>) dst(%dma_wait3A_198 : memref<4x100x64xf32, #tpu.memory_space<hbm>>)
    %sub3A_199 = arith.constant 4 : i32
    %sub3A_200 = arith.subi %add3A_11, %sub3A_199 : i32
    %dma_wait3A_201 = arith.constant 0 : i32
    %dma_wait3A_202 = arith.constant 0 : i32
    %dma_wait3A_203 = tpu.memref_slice %arg5[%sub3A_200, %dma_wait3A_201, %dma_wait3A_202] : memref<8192x100x64xf32, #tpu.memory_space<hbm>> -> memref<4x100x64xf32, #tpu.memory_space<hbm>>
    %dma_wait3A_204 = arith.constant 0 : i32
    %dma_wait3A_205 = arith.constant 0 : i32
    %dma_wait3A_206 = tpu.memref_slice %arg5[%sub3A_200, %dma_wait3A_204, %dma_wait3A_205] : memref<8192x100x64xf32, #tpu.memory_space<hbm>> -> memref<4x100x64xf32, #tpu.memory_space<hbm>>
    tpu.wait_dma2 semaphore(%arg26 : memref<!tpu.dma_semaphore, #tpu.memory_space<semaphore_mem>>) src(%arg14 : memref<4x100x64xf32, #tpu.memory_space<vmem>>) dst(%dma_wait3A_206 : memref<4x100x64xf32, #tpu.memory_space<hbm>>)
    return
  }
}

</mosaic_0001>

<sc_bundles>
// kernel: kernel.3.cloned.1.call-start
scs
__scs_entry_jumppad:
0x0: {  	(pc) =	sbr.rel $0x88, $3  }
0x1: {  	(tag) =	ssettag $0x0;
	lr =	simm.s32 $0x1  }
0x2: {  	[smem:$0x3F9E] =	sst lr;
	_ =	strace $0xD0000000  }
0x3: {  	_ = 	snop  }
0x4: {  	_ = 	snop  }
0x5: {  	_ = 	snop  }
0x6: {  	_ = 	snop  }
0x7: {  	_ = 	snop  }
__scs_overlays_trampoline_lowered:
0x8: {  	[smem:$0x3FAD] =	sst s0  }
0x9: {  	[smem:$0x3FAE] =	sst s1  }
0xa: {  	[smem:$0x3FAF] =	sst s2  }
0xb: {  	[smem:$0x3FB0] =	sst s3  }
0xc: {  	[smem:$0x3FB1] =	sst s4  }
0xd: {  	[smem:$0x3FB2] =	sst s5  }
0xe: {  	[smem:$0x3FB3] =	sst s6  }
0xf: {  	[smem:$0x3FB4] =	sst s7  }
0x10: {  	[smem:$0x3FB5] =	sst s8  }
0x11: {  	[smem:$0x3FB6] =	sst s9;
	s0 =	simm.s32 @!p0 $0x0  }
0x12: {  	s1 =	sld [smem:$0x3F9C];
	s0 =	simm.s32 @p0 $0x1  }
0x13: {  	[smem:$0x3FB7] =	sst s0;
	s0 =	simm.s32 @!p1 $0x0  }
0x14: {  	s2 =	sld [smem:$0x3F9B];
	s0 =	simm.s32 @p1 $0x1  }
0x15: {  	[smem:$0x3FB8] =	sst s0;
	s0 =	simm.s32 @!p2 $0x0  }
0x16: {  	s3 =	sld [smem:$0x3FDB];
	s0 =	simm.s32 @p2 $0x1  }
0x17: {  	s4 =	simm.s32 $0x1BF5;
	[smem:$0x3FBA] =	sst s0  }
0x18: {  	s0 =	sld [smem:$0x3F9D];
	_ =	swait.ge [sflag:s4], $0x0  }
0x19: {  	s7 =	sld [smem:$0x3F9E]  }
0x1a: {  	s8 =	sadd.s32 $0xFFFFE003, lr  }
0x1b: {  	s9 =	sadd.s32 $0xFFFFFEF7, lr;
	s5 =	simm.s32 $0xFFFFFFFF;
	p2 =	slt.u32 s8, $0xFFFFF086  }
0x1c: {  	p1 =	slt.u32 s9, $0xF7A;
	s5 =	simm.s32 @!p2 $0x0  }
0x1d: {  	s5 =	simm.s32 @p1 $0x1;
	p0 =	seq.s32 s7, s2  }
0x1e: {  	s7 =	smul.u32 @!p0 $0xF7A, s2;
	p2 =	seq.s32 @!p0 s5, $0x0  }
0x1f: {  	s9 =	smul.u32 $0xF7A, s1;
	s8 =	simm.s32 @!p0 $0x1BF5;
	p2 =	por !p2, p0  }
0x20: {  	[sflag:s8] =	ssyncset.s32 @!p0 $0xFFFFF086;
	s6 =	sadd.s32 @!p0 s3, s7;
	s7 =	simm.s32 @!p0 $0x108  }
0x21: {  	s3 =	sadd.s32 s3, s9;
	s6 =	sadd.s32 @!p0 $0x88, s6;
	s7 =	simm.s32 @p2 $0x1082  }
0x22: {  	[simem:s7], [sflag:s8] =	dma.local @!p0 [hbm:s6], $0xF7A  }
0x23: {  	s9 =	sor.u32 $0xD0000000, s2;
	s6 =	simm.s32 $0x108;
	_ =	swait.ge @!p0 [sflag:s8], $0x0  }
0x24: {  	s3 =	sadd.s32 $0x88, s3;
	s6 =	simm.s32 @!p1 $0x1082;
	[sflag:s4] =	ssyncset.s32 $0xFFFFF086  }
0x25: {  	[simem:s6], [sflag:s4] =	dma.local [hbm:s3], $0xF7A  }
0x26: {  	[smem:$0x3F9E] =	sst s1;
	(tag) =	ssettag s2;
	_ =	strace s9  }
0x27: {  	s1 =	sld [smem:$0x3FAE]  }
0x28: {  	s2 =	sld [smem:$0x3FAF]  }
0x29: {  	s4 =	sld [smem:$0x3FB1]  }
0x2a: {  	p0 =	seq.s32 s5, $0x0;
	s5 =	sld [smem:$0x3FB2]  }
0x2b: {  	s6 =	sld [smem:$0x3FB3]  }
0x2c: {  	s7 =	sld [smem:$0x3FB4]  }
0x2d: {  	s3 =	simm.s32 $0x108;
	s8 =	sld [smem:$0x3FB5]  }
0x2e: {  	s3 =	simm.s32 @!p0 $0x1082;
	s9 =	sld [smem:$0x3FB6]  }
0x2f: {  	lr =	sadd.s32 s0, s3;
	s0 =	sld [smem:$0x3FAD]  }
0x30: {  	s3 =	sld [smem:$0x3FB0]  }
0x31: {  	[smem:$0x3FB9] =	sst s10  }
0x32: {  	s10 =	sld [smem:$0x3FB7];
	_ =	sdelay $0x3  }
0x33: {  	p0 =	seq.s32 s10, $0x1;
	s10 =	sld [smem:$0x3FB9];
	_ =	sdelay $0x3  }
0x34: {  	[smem:$0x3FB9] =	sst s10  }
0x35: {  	s10 =	sld [smem:$0x3FB8];
	_ =	sdelay $0x3  }
0x36: {  	p1 =	seq.s32 s10, $0x1;
	s10 =	sld [smem:$0x3FB9];
	_ =	sdelay $0x3  }
0x37: {  	[smem:$0x3FB9] =	sst s10  }
0x38: {  	s10 =	sld [smem:$0x3FBA]  }
0x39: {  	_ = 	snop;
	(pc) =	sbr.ind lr, $3  }
0x3a: {  	_ = 	snop  }
0x3b: {  	_ = 	snop  }
0x3c: {  	p2 =	seq.s32 s10, $0x1;
	s10 =	sld [smem:$0x3FB9]  }
0x3d: {  	_ =	shalt  }
0x3e: {  	_ =	shalt  }
0x3f: {  	_ =	shalt  }
0x40: {  	_ =	shalt  }
0x41: {  	_ =	shalt  }
0x42: {  	_ =	shalt  }
0x43: {  	_ =	shalt  }
0x44: {  	_ =	shalt  }
0x45: {  	_ =	shalt  }
0x46: {  	_ =	shalt  }
0x47: {  	_ =	shalt  }
0x48: {  	_ =	shalt  }
0x49: {  	_ =	shalt  }
0x4a: {  	_ =	shalt  }
0x4b: {  	_ =	shalt  }
0x4c: {  	_ =	shalt  }
0x4d: {  	_ =	shalt  }
0x4e: {  	_ =	shalt  }
0x4f: {  	_ =	shalt  }
0x50: {  	_ =	shalt  }
0x51: {  	_ =	shalt  }
0x52: {  	_ =	shalt  }
0x53: {  	_ =	shalt  }
0x54: {  	_ =	shalt  }
0x55: {  	_ =	shalt  }
0x56: {  	_ =	shalt  }
0x57: {  	_ =	shalt  }
0x58: {  	_ =	shalt  }
0x59: {  	_ =	shalt  }
0x5a: {  	_ =	shalt  }
0x5b: {  	_ =	shalt  }
0x5c: {  	_ =	shalt  }
0x5d: {  	_ =	shalt  }
0x5e: {  	_ =	shalt  }
0x5f: {  	_ =	shalt  }
0x60: {  	_ =	shalt  }
0x61: {  	_ =	shalt  }
0x62: {  	_ =	shalt  }
0x63: {  	_ =	shalt  }
0x64: {  	_ =	shalt  }
0x65: {  	_ =	shalt  }
0x66: {  	_ =	shalt  }
0x67: {  	_ =	shalt  }
0x68: {  	_ =	shalt  }
0x69: {  	_ =	shalt  }
0x6a: {  	_ =	shalt  }
0x6b: {  	_ =	shalt  }
0x6c: {  	_ =	shalt  }
0x6d: {  	_ =	shalt  }
0x6e: {  	_ =	shalt  }
0x6f: {  	_ =	shalt  }
0x70: {  	_ =	shalt  }
0x71: {  	_ =	shalt  }
0x72: {  	_ =	shalt  }
0x73: {  	_ =	shalt  }
0x74: {  	_ =	shalt  }
0x75: {  	_ =	shalt  }
0x76: {  	_ =	shalt  }
0x77: {  	_ =	shalt  }
0x78: {  	_ =	shalt  }
0x79: {  	_ =	shalt  }
0x7a: {  	_ =	shalt  }
0x7b: {  	_ =	shalt  }
0x7c: {  	_ =	shalt  }
0x7d: {  	_ =	shalt  }
0x7e: {  	_ =	shalt  }
0x7f: {  	_ =	shalt  }
0x80: {  	_ =	shalt  }
0x81: {  	_ =	shalt  }
0x82: {  	_ =	shalt  }
0x83: {  	_ =	shalt  }
0x84: {  	_ =	shalt  }
0x85: {  	_ =	shalt  }
0x86: {  	_ =	shalt  }
0x87: {  	_ =	shalt  }
.Lfunc_end0:
.L_simem_size_0:
called_computation.1_lowered:
.L_overlay_start_0:
0x88: {  	s2 =	sld [smem:$0x3FD9]  }
0x89: {  	s3 =	sld [smem:$0x3FFE];
	_ =	sdelay $0x1  }
0x8a: {  	s1 =	srdreg.scid  }
0x8b: {  	s0 =	sand.u32 $0x1, s1  }
0x8c: {  	s17 =	sshll.u32 s0, $0xA;
	s2 =	sadd.s32 s3, s2  }
0x8d: {  	s2 =	sadd.s32 s2, s17  }
0x8e: {  	[smem:$0x3FC5] =	sst s2  }
0x8f: {  	_ = 	snop  }
0x90: {  	s2 =	sld [smem:$0x3FD0];
	(tm) =	ssettm $0x1  }
0x91: {  	s18 =	sld [smem:$0x3FFB];
	_ =	sdelay $0x3  }
0x92: {  	_ =	strace s18  }
0x93: {  	s3 =	sld [smem:$0x3FFC];
	_ =	sdelay $0x3  }
0x94: {  	_ =	strace s3  }
0x95: {  	s3 =	sld [smem:$0x3FFD];
	_ =	sdelay $0x3  }
0x96: {  	_ =	strace s3  }
0x97: {  	_ =	strace $0x8FFFFFFF  }
0x98: {  	s19 =	sld [smem:$0x3FDB];
	_ =	sdelay $0x1  }
0x99: {  	s4 =	simm.s32 $_scs_section_size  }
0x9a: {  	s5 =	simm.s32 $_size__tile_overlayer_lowered;
	s6 =	simm.s32 $_tile_overlayer_lowered  }
0x9b: {  	s22 =	simm.s32 $0x1BFF;
	s21 =	sshll.u32 s6, $0x1;
	s3 =	sadd.s32 s4, s19  }
0x9c: {  	s7 =	simm.s32 $0x0;
	s20 =	sshll.u32 s5, $0x1;
	s5 =	sadd.s32 s21, s3  }
0x9d: {  	[timem:s7], [sflag:s22] =	dma.local [hbm:s5], s20  }
0x9e: {  	_ =	swait.ge [sflag:s22], s20  }
0x9f: {  	s4 =	ssub.s32 $0x0, s20;
	[sflag:s22] =	ssyncset.done $0x0  }
0xa0: {  	[sflag:s22] =	ssyncadd.s32 s4;
	_ =	sdelay $0x1  }
0xa1: {  	s23 =	simm.s32 $0x1B8B  }
0xa2: {  	_ =	swait.ge [sflag:s23], $0x1  }
0xa3: {  	[sflag:s23] =	ssyncset.done $0x0  }
0xa4: {  	s25 =	simm.s32 $0x1B8E;
	s24 =	sld [smem:$0x3FFE];
	[sflag:s23] =	ssyncadd.s32 $0xFFFFFFFF  }
0xa5: {  	s26 =	simm.s32 $execute0_lowered;
	[smem:$0x3FD2] =	sst s25  }
0xa6: {  	s5 =	sshll.u32 s26, $0x1;
	_ =	strace $0x80000046;
	[dreg:$0x1] =	wrdreg $0xFFFFFFFF  }
0xa7: {  	s28 =	simm.s32 $_size_execute0_lowered;
	s3 =	sadd.s32 s3, s5;
	[dreg:$0x0] =	wrdreg $0x0  }
0xa8: {  	s5 =	sshll.u32 s28, $0x1;
	[dreg:$0x2] =	wrdreg s3  }
0xa9: {  	[dreg:$0x3] =	wrdreg s5  }
0xaa: {  	[dreg:$0x4] =	wrdreg $0xC0  }
0xab: {  	_ =	task [dreg:s7], $0x5FFFF  }
0xac: {  	[dreg:$0x1] =	wrdreg $0xFFFFFFFF  }
0xad: {  	[dreg:$0x0] =	wrdreg $0x60  }
0xae: {  	[dreg:$0x2] =	wrdreg s24  }
0xaf: {  	[dreg:$0x3] =	wrdreg s2  }
0xb0: {  	[dreg:$0x4] =	wrdreg $0x0  }
0xb1: {  	[dreg:$0x5] =	wrdreg $0x9  }
0xb2: {  	_ =	task.clear_ibuf [dreg:s7], $0x6FFFF;
	_ =	strace $0x90000046  }
0xb3: {  	s29 =	simm.s32 $0x9;
	_ =	strace $0x80000048  }
0xb4: {  	_ =	swait.ge [sflag:s29], $0x1  }
0xb5: {  	[sflag:s29] =	ssyncadd.s32 $0xFFFFFFFF  }
0xb6: {  	_ =	strace $0x90000048  }
0xb7: {  	_ =	sfence  }
0xb8: {  	s30 =	sld [smem:$0x0];
	_ =	sdelay $0x2  }
0xb9: {  	s31 =	sshll.u32 s1, $0xD;
	s1 =	sshrl.u32 s1, $0x2  }
0xba: {  	s3 =	sand.u32 $0x4000, s31;
	s1 =	sadd.s32 s1, s30  }
0xbb: {  	s0 =	sor.u32 s3, s0;
	s1 =	sshll.u32 s1, $0x11  }
0xbc: {  	s0 =	sor.u32 s1, s0  }
0xbd: {  	s0 =	sadd.s32 $0x8F2B, s0  }
0xbe: {  	[sflag:s0] =	ssyncadd.remote.s32 $0x1  }
0xbf: {  	_ =	sfence.sel $0xFFFF  }
0xc0: {  	[dreg:$0x0] =	wrdreg $0xFFFFFFFF;
	(pc) =	sbr.abs _section_cstart, $3  }
0xc1: {  	[dreg:$0x1] =	wrdreg $0xFFFFFFFF  }
0xc2: {  	_ =	task.clear_ibuf [dreg:s7], $0x2FFFF;
	_ =	strace $0x9FFFFFFF  }
0xc3: {  	(tm) =	ssettm $0x7FFFFFFF  }
tec
execute0_lowered:
.L_overlay_start_1:
0x0: {  	(tag) =	ssettag $0x1  }
0x1: {  	s1 =	rddreg [dreg:$0x0]  }
0x2: {  	s2 =	srdreg.scid;
	s0 =	rddreg [dreg:$0x1]  }
0x3: {  	s7 =	stileid.u32;
	s3 =	simm.s32 $0x0;
	s24 =	simm.s32 $0x6A8  }
0x4: {  	s26 =	simm.s32 $0x25C0;
	s28 =	simm.s32 $0x980;
	s29 =	simm.s32 $0x3  }
0x5: {  	s30 =	simm.s32 $0x6;
	s8 =	sand.u32 $0x1, s2;
	s2 =	rddreg [dreg:$0x2]  }
0x6: {  	s4 =	sshll.u32 s7, $0x9;
	[smem:$0x7FF] =	sst s3;
	s19 =	sadd.s32 $0xC00, s1  }
0x7: {  	s10 =	smul.u32 $0xD000, s7;
	s6 =	sadd.s32 $0xF43000, s1;
	s1 =	sadd.s32 $0x1AC00, s1  }
0x8: {  	s18 =	smul.u32 $0x320000, s7;
	p0 =	sne.s32 s7, $0x0;
	s5 =	sshll.u32 s8, $0x8  }
0x9: {  	_ =	strace $0x80000047;
	s12 =	smul.u32 $0x6800, s8;
	[dreg:$0x19] =	wrdreg s1  }
0xa: {  	s11 =	ssub.s32 $0x2, s8;
	s21 =	smul.u32 $0xD00, s8;
	[dreg:$0x7] =	wrdreg s24  }
0xb: {  	[dreg:$0x8] =	wrdreg s26;
	s24 =	simm.s32 $0xA50;
	s26 =	simm.s32 $0xAB8  }
0xc: {  	s17 =	sor.u32 s5, s4;
	s13 =	sshrl.u32 s11, $0x1;
	[dreg:$0x15] =	wrdreg s24  }
0xd: {  	s4 =	simm.s32 $0x710;
	s5 =	simm.s32 $0x3EC0;
	[dreg:$0x17] =	wrdreg s26  }
0xe: {  	s9 =	smul.u32 $0x1900, s17;
	s1 =	ssub.s32 s11, s13;
	s10 =	sadd.s32 s12, s10  }
0xf: {  	s11 =	sadd.s32 $0x3200, s2;
	s13 =	smul.u32 $0x1A00, s7;
	[dreg:$0x9] =	wrdreg s4  }
0x10: {  	[dreg:$0xa] =	wrdreg s5;
	s5 =	sshrl.u32 @!p0 s2, $0x3;
	s12 =	sor.u32 $0x4E0, s10  }
0x11: {  	s10 =	sor.u32 $0x340, s10;
	s1 =	smax.u32 s1, $0x1;
	[dreg:$0x1f] =	wrdreg s5  }
0x12: {  	s5 =	sshrl.u32 @!p0 s11, $0x3;
	s20 =	sshrl.u32 s10, $0x3;
	[dreg:$0x1c] =	wrdreg s1  }
0x13: {  	s13 =	sadd.s32 s13, s19;
	s10 =	simm.s32 $0x778;
	[smem:$0x7FD] =	sst s5  }
0x14: {  	s31 =	smul.u32 $0x64000, s7;
	s22 =	sadd.s32 s21, s13;
	[dreg:$0xb] =	wrdreg s10  }
0x15: {  	s9 =	sshrl.u32 s9, $0x3;
	s13 =	simm.s32 $0x57C0;
	[dreg:$0x6] =	wrdreg s22  }
0x16: {  	s9 =	sadd.s32 s0, s9;
	s21 =	simm.s32 $0xBBC0;
	[dreg:$0xc] =	wrdreg s13  }
0x17: {  	s24 =	simm.s32 $0x2;
	s14 =	sadd.s32 $0x30700, s9;
	[dreg:$0x12] =	wrdreg s21  }
0x18: {  	s16 =	sshrl.u32 s12, $0x3;
	s15 =	sadd.s32 $0x31380, s9;
	[dreg:$0x1a] =	wrdreg s14  }
0x19: {  	s7 =	simm.s32 $0x0;
	s9 =	sadd.s32 s16, s19;
	[dreg:$0x1b] =	wrdreg s15  }
0x1a: {  	s16 =	simm.s32 $0x8B0;
	s22 =	simm.s32 $0x9E8;
	[dreg:$0x4] =	wrdreg s9  }
0x1b: {  	s13 =	simm.s32 $0x7E0;
	s21 =	simm.s32 $0x64;
	[dreg:$0xf] =	wrdreg s16  }
0x1c: {  	s9 =	sadd.s32 s20, s19;
	s14 =	smul.u32 $0x190000, s8;
	[dreg:$0x13] =	wrdreg s22  }
0x1d: {  	s8 =	smul.u32 $0x32000, s8;
	s15 =	simm.s32 $0x89C0;
	[dreg:$0x5] =	wrdreg s9  }
0x1e: {  	s16 =	simm.s32 $0xD;
	s20 =	simm.s32 $0x918;
	[dreg:$0xe] =	wrdreg s15  }
0x1f: {  	s9 =	sadd.s32 s31, s0;
	[dreg:$0x11] =	wrdreg s20;
	s31 =	simm.s32 $0x11FC0  }
0x20: {  	s22 =	simm.s32 $0x640;
	s12 =	sadd.s32 s8, s9;
	[dreg:$0x18] =	wrdreg s31  }
0x21: {  	s23 =	sadd.s32 s14, s18;
	s14 =	simm.s32 $0x848;
	[dreg:$0x1e] =	wrdreg s12  }
0x22: {  	s15 =	simm.s32 $0xCC0;
	s18 =	simm.s32 $0xA2C0;
	[dreg:$0xd] =	wrdreg s14  }
0x23: {  	s20 =	simm.s32 $0x1;
	s25 =	sadd.s32 $0xFFFF9C00, s23;
	[dreg:$0x10] =	wrdreg s18  }
0x24: {  	s12 =	simm.s32 $0x640;
	s23 =	simm.s32 $0xEDC0;
	[dreg:$0x1d] =	wrdreg s25  }
0x25: {  	s18 =	simm.s32 $0x70C0;
	[dreg:$0x14] =	wrdreg s23;
	s25 =	simm.s32 $0x106C0  }
0x26: {  	s23 =	simm.s32 $0x7E0;
	[dreg:$0x16] =	wrdreg s25;
	s25 =	simm.s32 $0x5  }
.LBB2_1:
0x27: {  	[smem:$0x7FC] =	sst s7  }
0x28: {  	s5 =	rddreg [dreg:$0x19]  }
0x29: {  	s1 =	simm.s32 @!p0 $0x1C0D;
	s7 =	rddreg [dreg:$0x1f]  }
0x2a: {  	[spmem:s7], [sflag:s1] =	dma.local @!p0 [hbm:s5], $0x640  }
0x2b: {  	s7 =	simm.s32 @!p0 $0xD  }
0x2c: {  	_ =	swait.ge @!p0 [sflag:s7], $0x640  }
0x2d: {  	s8 =	sld [smem:$0x7FD]  }
0x2e: {  	[sflag:s7] =	ssyncset.done @!p0 $0x0  }
0x2f: {  	[sflag:s7] =	ssyncadd.s32 @!p0 $0xFFFFF9C0  }
0x30: {  	[spmem:s8], [sflag:s1] =	dma.local @!p0 [hbm:s5], $0x640  }
0x31: {  	_ =	swait.ge @!p0 [sflag:s7], $0x640  }
0x32: {  	[sflag:s7] =	ssyncset.done @!p0 $0x0  }
0x33: {  	p1 =	por $0x1, $0x1;
	[sflag:s7] =	ssyncadd.s32 @!p0 $0xFFFFF9C0  }
0x34: {  	s1 =	simm.s32 @!p1 $0x9;
	[bflag:$0x0] =	sbarrier.arrive $0xFFFF  }
0x35: {  	_ =	swait.ge @!p1 [sflag:s1], $0x6400  }
0x36: {  	[sflag:s1] =	ssyncset.done @!p1 $0x0  }
0x37: {  	[sflag:s1] =	ssyncadd.s32 @!p1 $0xFFFF9C00  }
0x38: {  	[tilespmem:s15], [sflag:$0xD] =	stream.linear.gather [spmem:s2], $0x6400, $0x38;
	[tilespmem:$0x19CC0] =	vst v63  }
0x39: {  	_ =	swait.ge [sflag:s16], $0x6400  }
0x3a: {  	s10 =	rddreg [dreg:$0x6];
	[sflag:s16] =	ssyncset.done $0x0  }
0x3b: {  	s8 =	simm.s32 @!p1 $0x4;
	[sflag:s16] =	ssyncadd.s32 $0xFFFF9C00;
	s1 =	sadd.s32 $0x0, s10  }
0x3c: {  	[tilespmem:s12], [sflag:$0x1] =	stream.linear.gather [hbm4b:s1+s3], $0x1A0, $0x38;
	[tilespmem:$0x19CC0] =	vst v63  }
0x3d: {  	_ =	swait.ge @!p1 [sflag:s8], $0x1A0  }
0x3e: {  	s7 =	simm.s32 @!p1 $0x138C0;
	[sflag:s8] =	ssyncset.done @!p1 $0x0  }
0x3f: {  	s1 =	simm.s32 @!p1 $0x64;
	[sflag:s8] =	ssyncadd.s32 @!p1 $0xFFFFFE60;
	s8 =	simm.s32 @!p1 $0xB20  }
0x40: {  	[tilespmem:s7], [sflag:$0x8] =	stream.indirect.gather.add.f32 @!p1 [hbm:s6], $0x40, s8, s1, $0xb8;
	[tilespmem:$0x19CC0] =	vst v63  }
0x41: {  	s9 =	simm.s32 @!p1 $0x151C0;
	s8 =	simm.s32 @!p1 $0xB88  }
0x42: {  	[tilespmem:s9], [sflag:$0x8] =	stream.indirect.gather.add.f32 @!p1 [hbm:s6], $0x40, s8, s1, $0xb8;
	[tilespmem:$0x19CC0] =	vst v63  }
0x43: {  	s8 =	simm.s32 @!p1 $0xBF0;
	s9 =	simm.s32 @!p1 $0x16AC0  }
0x44: {  	[tilespmem:s9], [sflag:$0x8] =	stream.indirect.gather.add.f32 @!p1 [hbm:s6], $0x40, s8, s1, $0xb8;
	[tilespmem:$0x19CC0] =	vst v63  }
0x45: {  	s10 =	simm.s32 @!p1 $0x7;
	s8 =	simm.s32 @!p1 $0xC58;
	s9 =	simm.s32 @!p1 $0x183C0  }
0x46: {  	[tilespmem:s9], [sflag:$0x8] =	stream.indirect.gather.add.f32 @!p1 [hbm:s6], $0x40, s8, s1, $0xb8;
	[tilespmem:$0x19CC0] =	vst v63  }
0x47: {  	_ =	swait.ge @!p1 [sflag:s10], $0x1900  }
0x48: {  	[sflag:s10] =	ssyncset.done @!p1 $0x0  }
0x49: {  	[sflag:s10] =	ssyncadd.s32 @!p1 $0xFFFFE700  }
0x4a: {  	_ =	swait.ge @!p1 [sflag:s10], $0x1900  }
0x4b: {  	[sflag:s10] =	ssyncset.done @!p1 $0x0  }
0x4c: {  	[sflag:s10] =	ssyncadd.s32 @!p1 $0xFFFFE700  }
0x4d: {  	_ =	swait.ge @!p1 [sflag:s10], $0x1900  }
0x4e: {  	[sflag:s10] =	ssyncset.done @!p1 $0x0  }
0x4f: {  	s5 =	rddreg [dreg:$0x1d];
	[sflag:s10] =	ssyncadd.s32 @!p1 $0xFFFFE700  }
0x50: {  	s8 =	simm.s32 @!p1 $0xA;
	s1 =	sadd.s32 @!p1 $0xFFFF9C00, s5;
	_ =	swait.ge @!p1 [sflag:s10], $0x1900  }
0x51: {  	s9 =	simm.s32 @!p1 $0x0;
	s1 =	sshrl.u32 @!p1 s1, $0x3;
	[sflag:s10] =	ssyncset.done @!p1 $0x0  }
0x52: {  	s1 =	sadd.s32 @!p1 s0, s1;
	[sflag:s10] =	ssyncadd.s32 @!p1 $0xFFFFE700;
	s10 =	simm.s32 @!p1 $0xD4C0  }
0x53: {  	[hbm4b:s1+s9] =	stream.linear.scatter @!p1 [tilespmem:s10], [sflag:$0xB], $0x6400, $0x38;
	[tilespmem:$0x19CC0] =	vst v63  }
0x54: {  	s1 =	smov.u32 s17;
	_ =	swait.ge @!p1 [sflag:s8], $0x6400  }
0x55: {  	s1 =	smov.u32 @p1 s17;
	[sflag:s8] =	ssyncset.done @!p1 $0x0  }
0x56: {  	s1 =	sor.u32 $0x4, s1;
	[sflag:s8] =	ssyncadd.s32 @!p1 $0xFFFF9C00  }
0x57: {  	[tilespmem:s18], [sflag:$0xD] =	stream.linear.gather [spmem:s2], $0x6400, $0x38;
	[tilespmem:$0x19CC0] =	vst v63  }
0x58: {  	s11 =	smul.u32 $0xD, s1;
	_ =	swait.ge [sflag:s16], $0x6400  }
0x59: {  	[sflag:s16] =	ssyncset.done $0x0  }
0x5a: {  	s8 =	sadd.s32 s19, s11;
	[sflag:s16] =	ssyncadd.s32 $0xFFFF9C00  }
0x5b: {  	[tilespmem:s13], [sflag:$0x2] =	stream.linear.gather [hbm4b:s8+s3], $0x1A0, $0x38;
	[tilespmem:$0x19CC0] =	vst v63  }
0x5c: {  	_ =	swait.ge [sflag:s20], $0x1A0  }
0x5d: {  	s8 =	rddreg [dreg:$0xa]  }
0x5e: {  	[sflag:s20] =	ssyncset.done $0x0;
	s14 =	rddreg [dreg:$0x7]  }
0x5f: {  	s11 =	rddreg [dreg:$0x8];
	[sflag:s20] =	ssyncadd.s32 $0xFFFFFE60  }
0x60: {  	[tilespmem:s15], [sflag:$0x5] =	stream.indirect.gather.add.f32 [hbm:s6], $0x40, s12, s21, $0xb8;
	[tilespmem:$0x19CC0] =	vst v63  }
0x61: {  	s26 =	rddreg [dreg:$0x9]  }
0x62: {  	[tilespmem:s11], [sflag:$0x5] =	stream.indirect.gather.add.f32 [hbm:s6], $0x40, s14, s21, $0xb8;
	[tilespmem:$0x19CC0] =	vst v63  }
0x63: {  	s31 =	rddreg [dreg:$0xc]  }
0x64: {  	[tilespmem:s8], [sflag:$0x5] =	stream.indirect.gather.add.f32 [hbm:s6], $0x40, s26, s21, $0xb8;
	[tilespmem:$0x19CC0] =	vst v63  }
0x65: {  	s4 =	rddreg [dreg:$0xb];
	s8 =	simm.s32 @!p1 $0x8  }
0x66: {  	[tilespmem:s31], [sflag:$0x5] =	stream.indirect.gather.add.f32 [hbm:s6], $0x40, s4, s21, $0xb8;
	[tilespmem:$0x19CC0] =	vst v63  }
0x67: {  	_ =	swait.ge @!p1 [sflag:s8], $0x1900  }
0x68: {  	[sflag:s8] =	ssyncset.done @!p1 $0x0  }
0x69: {  	[sflag:s8] =	ssyncadd.s32 @!p1 $0xFFFFE700  }
0x6a: {  	_ =	swait.ge @!p1 [sflag:s8], $0x1900  }
0x6b: {  	[sflag:s8] =	ssyncset.done @!p1 $0x0  }
0x6c: {  	[sflag:s8] =	ssyncadd.s32 @!p1 $0xFFFFE700  }
0x6d: {  	_ =	swait.ge @!p1 [sflag:s8], $0x1900  }
0x6e: {  	[sflag:s8] =	ssyncset.done @!p1 $0x0  }
0x6f: {  	[sflag:s8] =	ssyncadd.s32 @!p1 $0xFFFFE700  }
0x70: {  	_ =	swait.ge @!p1 [sflag:s8], $0x1900  }
0x71: {  	s10 =	sshrl.u32 @!p1 s5, $0x3;
	[sflag:s8] =	ssyncset.done @!p1 $0x0  }
0x72: {  	s10 =	sadd.s32 @!p1 s0, s10;
	[sflag:s8] =	ssyncadd.s32 @!p1 $0xFFFFE700;
	s8 =	simm.s32 @!p1 $0xB  }
0x73: {  	[hbm4b:s10+s9] =	stream.linear.scatter @!p1 [tilespmem:s7], [sflag:$0xC], $0x6400, $0x38;
	[tilespmem:$0x19CC0] =	vst v63  }
0x74: {  	_ =	swait.ge @!p1 [sflag:s8], $0x6400  }
0x75: {  	[sflag:s8] =	ssyncset.done @!p1 $0x0  }
0x76: {  	s12 =	simm.s32 $0xD4C0;
	[sflag:s8] =	ssyncadd.s32 @!p1 $0xFFFF9C00  }
0x77: {  	[tilespmem:s12], [sflag:$0xD] =	stream.linear.gather [spmem:s2], $0x6400, $0x38;
	[tilespmem:$0x19CC0] =	vst v63  }
0x78: {  	_ =	swait.ge [sflag:s16], $0x6400  }
0x79: {  	s8 =	rddreg [dreg:$0x5];
	[sflag:s16] =	ssyncset.done $0x0  }
0x7a: {  	[sflag:s16] =	ssyncadd.s32 $0xFFFF9C00;
	s7 =	sadd.s32 $0x0, s8  }
0x7b: {  	[tilespmem:s28], [sflag:$0x3] =	stream.linear.gather [hbm4b:s7+s3], $0x1A0, $0x38;
	[tilespmem:$0x19CC0] =	vst v63  }
0x7c: {  	_ =	swait.ge [sflag:s24], $0x1A0  }
0x7d: {  	s9 =	rddreg [dreg:$0xd]  }
0x7e: {  	[sflag:s24] =	ssyncset.done $0x0;
	s10 =	rddreg [dreg:$0x10]  }
0x7f: {  	s11 =	rddreg [dreg:$0xe];
	[sflag:s24] =	ssyncadd.s32 $0xFFFFFE60  }
0x80: {  	[tilespmem:s18], [sflag:$0x6] =	stream.indirect.gather.add.f32 [hbm:s6], $0x40, s13, s21, $0xb8;
	[tilespmem:$0x19CC0] =	vst v63  }
0x81: {  	s14 =	rddreg [dreg:$0xf]  }
0x82: {  	[tilespmem:s11], [sflag:$0x6] =	stream.indirect.gather.add.f32 [hbm:s6], $0x40, s9, s21, $0xb8;
	[tilespmem:$0x19CC0] =	vst v63  }
0x83: {  	s26 =	rddreg [dreg:$0x12]  }
0x84: {  	[tilespmem:s10], [sflag:$0x6] =	stream.indirect.gather.add.f32 [hbm:s6], $0x40, s14, s21, $0xb8;
	[tilespmem:$0x19CC0] =	vst v63  }
0x85: {  	s31 =	rddreg [dreg:$0x11]  }
0x86: {  	[tilespmem:s26], [sflag:$0x6] =	stream.indirect.gather.add.f32 [hbm:s6], $0x40, s31, s21, $0xb8;
	[tilespmem:$0x19CC0] =	vst v63  }
0x87: {  	_ =	swait.ge [sflag:s25], $0x1900  }
0x88: {  	[sflag:s25] =	ssyncset.done $0x0  }
0x89: {  	[sflag:s25] =	ssyncadd.s32 $0xFFFFE700  }
0x8a: {  	_ =	swait.ge [sflag:s25], $0x1900  }
0x8b: {  	[sflag:s25] =	ssyncset.done $0x0  }
0x8c: {  	[sflag:s25] =	ssyncadd.s32 $0xFFFFE700  }
0x8d: {  	_ =	swait.ge [sflag:s25], $0x1900  }
0x8e: {  	[sflag:s25] =	ssyncset.done $0x0  }
0x8f: {  	[sflag:s25] =	ssyncadd.s32 $0xFFFFE700  }
0x90: {  	_ =	swait.ge [sflag:s25], $0x1900  }
0x91: {  	[sflag:s25] =	ssyncset.done $0x0  }
0x92: {  	s7 =	simm.s32 @!p1 $0xC;
	s11 =	rddreg [dreg:$0x1e];
	[sflag:s25] =	ssyncadd.s32 $0xFFFFE700  }
0x93: {  	[hbm4b:s11+s3] =	stream.linear.scatter [tilespmem:s15], [sflag:$0x9], $0x6400, $0x38;
	[tilespmem:$0x19CC0] =	vst v63  }
0x94: {  	_ =	swait.ge @!p1 [sflag:s7], $0x6400  }
0x95: {  	[sflag:s7] =	ssyncset.done @!p1 $0x0  }
0x96: {  	s4 =	simm.s32 $0x138C0;
	[sflag:s7] =	ssyncadd.s32 @!p1 $0xFFFF9C00  }
0x97: {  	[tilespmem:s4], [sflag:$0xD] =	stream.linear.gather [spmem:s2], $0x6400, $0x38;
	[tilespmem:$0x19CC0] =	vst v63  }
0x98: {  	_ =	swait.ge [sflag:s16], $0x6400  }
0x99: {  	s8 =	rddreg [dreg:$0x4];
	[sflag:s16] =	ssyncset.done $0x0  }
0x9a: {  	s9 =	simm.s32 $0xB20;
	[sflag:s16] =	ssyncadd.s32 $0xFFFF9C00;
	s7 =	sadd.s32 $0x0, s8  }
0x9b: {  	[tilespmem:s9], [sflag:$0x4] =	stream.linear.gather [hbm4b:s7+s3], $0x1A0, $0x38;
	[tilespmem:$0x19CC0] =	vst v63  }
0x9c: {  	_ =	swait.ge [sflag:s29], $0x1A0  }
0x9d: {  	s10 =	rddreg [dreg:$0x13]  }
0x9e: {  	[sflag:s29] =	ssyncset.done $0x0;
	s13 =	rddreg [dreg:$0x15]  }
0x9f: {  	s14 =	rddreg [dreg:$0x14];
	[sflag:s29] =	ssyncadd.s32 $0xFFFFFE60  }
0xa0: {  	[tilespmem:s12], [sflag:$0x7] =	stream.indirect.gather.add.f32 [hbm:s6], $0x40, s28, s21, $0xb8;
	[tilespmem:$0x19CC0] =	vst v63  }
0xa1: {  	s26 =	rddreg [dreg:$0x16]  }
0xa2: {  	[tilespmem:s14], [sflag:$0x7] =	stream.indirect.gather.add.f32 [hbm:s6], $0x40, s10, s21, $0xb8;
	[tilespmem:$0x19CC0] =	vst v63  }
0xa3: {  	s31 =	rddreg [dreg:$0x18]  }
0xa4: {  	[tilespmem:s26], [sflag:$0x7] =	stream.indirect.gather.add.f32 [hbm:s6], $0x40, s13, s21, $0xb8;
	[tilespmem:$0x19CC0] =	vst v63  }
0xa5: {  	s9 =	simm.s32 $0xD0;
	s28 =	rddreg [dreg:$0x17]  }
0xa6: {  	[tilespmem:s31], [sflag:$0x7] =	stream.indirect.gather.add.f32 [hbm:s6], $0x40, s28, s21, $0xb8;
	[tilespmem:$0x19CC0] =	vst v63  }
0xa7: {  	s7 =	smul.u32 $0x320, s1;
	s10 =	sadd.s32 $0x3200, s11;
	_ =	swait.ge [sflag:s30], $0x1900  }
0xa8: {  	s11 =	smov.u32 s5;
	s13 =	sadd.s32 $0x10, s17;
	[sflag:s30] =	ssyncset.done $0x0  }
.LBB2_2:
0xa9: {  	[sflag:s30] =	ssyncadd.s32 $0xFFFFE700  }
0xaa: {  	_ =	swait.ge [sflag:s30], $0x1900  }
0xab: {  	[sflag:s30] =	ssyncset.done $0x0  }
0xac: {  	[sflag:s30] =	ssyncadd.s32 $0xFFFFE700  }
0xad: {  	_ =	swait.ge [sflag:s30], $0x1900  }
0xae: {  	[sflag:s30] =	ssyncset.done $0x0  }
0xaf: {  	[sflag:s30] =	ssyncadd.s32 $0xFFFFE700  }
0xb0: {  	s12 =	smov.u32 s9;
	_ =	swait.ge [sflag:s30], $0x1900  }
0xb1: {  	p2 =	seq.s32 s12, $0x0;
	[sflag:s30] =	ssyncset.done $0x0  }
0xb2: {  	s1 =	sadd.s32 s0, s7;
	s26 =	simm.s32 @!p2 $0x9;
	[sflag:s30] =	ssyncadd.s32 $0xFFFFE700  }
0xb3: {  	[hbm4b:s1+s3] =	stream.linear.scatter [tilespmem:s18], [sflag:$0xA], $0x6400, $0x38;
	[tilespmem:$0x19CC0] =	vst v63  }
0xb4: {  	_ =	swait.ge @!p2 [sflag:s26], $0x6400  }
0xb5: {  	[sflag:s26] =	ssyncset.done @!p2 $0x0  }
0xb6: {  	s11 =	sadd.s32 $0x19000, s11;
	s8 =	smov.u32 s13;
	[sflag:s26] =	ssyncadd.s32 @!p2 $0xFFFF9C00  }
0xb7: {  	[tilespmem:s15], [sflag:$0xD] =	stream.linear.gather [spmem:s2], $0x6400, $0x38;
	[tilespmem:$0x19CC0] =	vst v63  }
0xb8: {  	s7 =	sadd.s32 @!p2 $0xFFFF9C00, s11;
	s8 =	smov.u32 @p2 s17;
	_ =	swait.ge [sflag:s16], $0x6400  }
0xb9: {  	s28 =	simm.s32 @!p2 $0xB20;
	s4 =	rddreg [dreg:$0x6];
	[sflag:s16] =	ssyncset.done $0x0  }
0xba: {  	s26 =	simm.s32 @!p2 $0x4;
	[sflag:s16] =	ssyncadd.s32 $0xFFFF9C00;
	s1 =	sadd.s32 s12, s4  }
0xbb: {  	[tilespmem:s22], [sflag:$0x1] =	stream.linear.gather [hbm4b:s1+s3], $0x1A0, $0x38;
	[tilespmem:$0x19CC0] =	vst v63  }
0xbc: {  	s7 =	sshrl.u32 @!p2 s7, $0x3;
	s5 =	sor.u32 $0x4, s8;
	_ =	swait.ge @!p2 [sflag:s26], $0x1A0  }
0xbd: {  	s31 =	sadd.s32 @!p2 s0, s7;
	s8 =	smul.u32 $0xD, s5;
	[sflag:s26] =	ssyncset.done @!p2 $0x0  }
0xbe: {  	s1 =	simm.s32 @!p2 $0x138C0;
	[sflag:s26] =	ssyncadd.s32 @!p2 $0xFFFFFE60;
	s26 =	simm.s32 @!p2 $0x64  }
0xbf: {  	[tilespmem:s1], [sflag:$0x8] =	stream.indirect.gather.add.f32 @!p2 [hbm:s6], $0x40, s28, s26, $0xb8;
	[tilespmem:$0x19CC0] =	vst v63  }
0xc0: {  	s7 =	smul.u32 $0x320, s5;
	s5 =	simm.s32 @!p2 $0x151C0;
	s28 =	simm.s32 @!p2 $0xB88  }
0xc1: {  	[tilespmem:s5], [sflag:$0x8] =	stream.indirect.gather.add.f32 @!p2 [hbm:s6], $0x40, s28, s26, $0xb8;
	[tilespmem:$0x19CC0] =	vst v63  }
0xc2: {  	s5 =	simm.s32 @!p2 $0xBF0;
	s28 =	simm.s32 @!p2 $0x16AC0  }
0xc3: {  	[tilespmem:s28], [sflag:$0x8] =	stream.indirect.gather.add.f32 @!p2 [hbm:s6], $0x40, s5, s26, $0xb8;
	[tilespmem:$0x19CC0] =	vst v63  }
0xc4: {  	s4 =	simm.s32 @!p2 $0x7;
	s5 =	simm.s32 @!p2 $0xC58;
	s28 =	simm.s32 @!p2 $0x183C0  }
0xc5: {  	[tilespmem:s28], [sflag:$0x8] =	stream.indirect.gather.add.f32 @!p2 [hbm:s6], $0x40, s5, s26, $0xb8;
	[tilespmem:$0x19CC0] =	vst v63  }
0xc6: {  	_ =	swait.ge @!p2 [sflag:s4], $0x1900  }
0xc7: {  	[sflag:s4] =	ssyncset.done @!p2 $0x0  }
0xc8: {  	[sflag:s4] =	ssyncadd.s32 @!p2 $0xFFFFE700  }
0xc9: {  	_ =	swait.ge @!p2 [sflag:s4], $0x1900  }
0xca: {  	[sflag:s4] =	ssyncset.done @!p2 $0x0  }
0xcb: {  	[sflag:s4] =	ssyncadd.s32 @!p2 $0xFFFFE700  }
0xcc: {  	_ =	swait.ge @!p2 [sflag:s4], $0x1900  }
0xcd: {  	[sflag:s4] =	ssyncset.done @!p2 $0x0  }
0xce: {  	[sflag:s4] =	ssyncadd.s32 @!p2 $0xFFFFE700  }
0xcf: {  	_ =	swait.ge @!p2 [sflag:s4], $0x1900  }
0xd0: {  	s5 =	simm.s32 @!p2 $0xA;
	[sflag:s4] =	ssyncset.done @!p2 $0x0  }
0xd1: {  	s26 =	simm.s32 @!p2 $0x0;
	[sflag:s4] =	ssyncadd.s32 @!p2 $0xFFFFE700;
	s4 =	simm.s32 @!p2 $0xD4C0  }
0xd2: {  	[hbm4b:s31+s26] =	stream.linear.scatter @!p2 [tilespmem:s4], [sflag:$0xB], $0x6400, $0x38;
	[tilespmem:$0x19CC0] =	vst v63  }
0xd3: {  	_ =	swait.ge @!p2 [sflag:s5], $0x6400  }
0xd4: {  	[sflag:s5] =	ssyncset.done @!p2 $0x0  }
0xd5: {  	[sflag:s5] =	ssyncadd.s32 @!p2 $0xFFFF9C00  }
0xd6: {  	[tilespmem:s18], [sflag:$0xD] =	stream.linear.gather [spmem:s2], $0x6400, $0x38;
	[tilespmem:$0x19CC0] =	vst v63  }
0xd7: {  	_ =	swait.ge [sflag:s16], $0x6400  }
0xd8: {  	[sflag:s16] =	ssyncset.done $0x0  }
0xd9: {  	s5 =	sadd.s32 s19, s8;
	[sflag:s16] =	ssyncadd.s32 $0xFFFF9C00  }
0xda: {  	[tilespmem:s23], [sflag:$0x2] =	stream.linear.gather [hbm4b:s5+s3], $0x1A0, $0x38;
	[tilespmem:$0x19CC0] =	vst v63  }
0xdb: {  	_ =	swait.ge [sflag:s20], $0x1A0  }
0xdc: {  	s4 =	rddreg [dreg:$0xa]  }
0xdd: {  	[sflag:s20] =	ssyncset.done $0x0;
	s5 =	rddreg [dreg:$0x7]  }
0xde: {  	s8 =	rddreg [dreg:$0x8];
	[sflag:s20] =	ssyncadd.s32 $0xFFFFFE60  }
0xdf: {  	[tilespmem:s15], [sflag:$0x5] =	stream.indirect.gather.add.f32 [hbm:s6], $0x40, s22, s21, $0xb8;
	[tilespmem:$0x19CC0] =	vst v63  }
0xe0: {  	s28 =	rddreg [dreg:$0xc]  }
0xe1: {  	[tilespmem:s8], [sflag:$0x5] =	stream.indirect.gather.add.f32 [hbm:s6], $0x40, s5, s21, $0xb8;
	[tilespmem:$0x19CC0] =	vst v63  }
0xe2: {  	s31 =	rddreg [dreg:$0x9]  }
0xe3: {  	[tilespmem:s4], [sflag:$0x5] =	stream.indirect.gather.add.f32 [hbm:s6], $0x40, s31, s21, $0xb8;
	[tilespmem:$0x19CC0] =	vst v63  }
0xe4: {  	s8 =	rddreg [dreg:$0xb];
	s4 =	simm.s32 @!p2 $0x8  }
0xe5: {  	[tilespmem:s28], [sflag:$0x5] =	stream.indirect.gather.add.f32 [hbm:s6], $0x40, s8, s21, $0xb8;
	[tilespmem:$0x19CC0] =	vst v63  }
0xe6: {  	_ =	swait.ge @!p2 [sflag:s4], $0x1900  }
0xe7: {  	[sflag:s4] =	ssyncset.done @!p2 $0x0  }
0xe8: {  	[sflag:s4] =	ssyncadd.s32 @!p2 $0xFFFFE700  }
0xe9: {  	_ =	swait.ge @!p2 [sflag:s4], $0x1900  }
0xea: {  	[sflag:s4] =	ssyncset.done @!p2 $0x0  }
0xeb: {  	[sflag:s4] =	ssyncadd.s32 @!p2 $0xFFFFE700  }
0xec: {  	_ =	swait.ge @!p2 [sflag:s4], $0x1900  }
0xed: {  	[sflag:s4] =	ssyncset.done @!p2 $0x0  }
0xee: {  	[sflag:s4] =	ssyncadd.s32 @!p2 $0xFFFFE700  }
0xef: {  	_ =	swait.ge @!p2 [sflag:s4], $0x1900  }
0xf0: {  	s14 =	sshrl.u32 @!p2 s11, $0x3;
	[sflag:s4] =	ssyncset.done @!p2 $0x0  }
0xf1: {  	s14 =	sadd.s32 @!p2 s0, s14;
	[sflag:s4] =	ssyncadd.s32 @!p2 $0xFFFFE700;
	s4 =	simm.s32 @!p2 $0xB  }
0xf2: {  	[hbm4b:s14+s26] =	stream.linear.scatter @!p2 [tilespmem:s1], [sflag:$0xC], $0x6400, $0x38;
	[tilespmem:$0x19CC0] =	vst v63  }
0xf3: {  	_ =	swait.ge @!p2 [sflag:s4], $0x6400  }
0xf4: {  	[sflag:s4] =	ssyncset.done @!p2 $0x0  }
0xf5: {  	s26 =	simm.s32 $0xD4C0;
	[sflag:s4] =	ssyncadd.s32 @!p2 $0xFFFF9C00  }
0xf6: {  	[tilespmem:s26], [sflag:$0xD] =	stream.linear.gather [spmem:s2], $0x6400, $0x38;
	[tilespmem:$0x19CC0] =	vst v63  }
0xf7: {  	_ =	swait.ge [sflag:s16], $0x6400  }
0xf8: {  	s4 =	rddreg [dreg:$0x5];
	[sflag:s16] =	ssyncset.done $0x0  }
0xf9: {  	s28 =	simm.s32 $0x980;
	[sflag:s16] =	ssyncadd.s32 $0xFFFF9C00;
	s1 =	sadd.s32 s12, s4  }
0xfa: {  	[tilespmem:s28], [sflag:$0x3] =	stream.linear.gather [hbm4b:s1+s3], $0x1A0, $0x38;
	[tilespmem:$0x19CC0] =	vst v63  }
0xfb: {  	_ =	swait.ge [sflag:s24], $0x1A0  }
0xfc: {  	s5 =	rddreg [dreg:$0xd]  }
0xfd: {  	[sflag:s24] =	ssyncset.done $0x0;
	s4 =	rddreg [dreg:$0x10]  }
0xfe: {  	s14 =	rddreg [dreg:$0xe];
	[sflag:s24] =	ssyncadd.s32 $0xFFFFFE60  }
0xff: {  	[tilespmem:s18], [sflag:$0x6] =	stream.indirect.gather.add.f32 [hbm:s6], $0x40, s23, s21, $0xb8;
	[tilespmem:$0x19CC0] =	vst v63  }
0x100: {  	s8 =	rddreg [dreg:$0x12]  }
0x101: {  	[tilespmem:s14], [sflag:$0x6] =	stream.indirect.gather.add.f32 [hbm:s6], $0x40, s5, s21, $0xb8;
	[tilespmem:$0x19CC0] =	vst v63  }
0x102: {  	s31 =	rddreg [dreg:$0xf]  }
0x103: {  	[tilespmem:s4], [sflag:$0x6] =	stream.indirect.gather.add.f32 [hbm:s6], $0x40, s31, s21, $0xb8;
	[tilespmem:$0x19CC0] =	vst v63  }
0x104: {  	s5 =	rddreg [dreg:$0x11]  }
0x105: {  	[tilespmem:s8], [sflag:$0x6] =	stream.indirect.gather.add.f32 [hbm:s6], $0x40, s5, s21, $0xb8;
	[tilespmem:$0x19CC0] =	vst v63  }
0x106: {  	_ =	swait.ge [sflag:s25], $0x1900  }
0x107: {  	[sflag:s25] =	ssyncset.done $0x0  }
0x108: {  	[sflag:s25] =	ssyncadd.s32 $0xFFFFE700  }
0x109: {  	_ =	swait.ge [sflag:s25], $0x1900  }
0x10a: {  	[sflag:s25] =	ssyncset.done $0x0  }
0x10b: {  	[sflag:s25] =	ssyncadd.s32 $0xFFFFE700  }
0x10c: {  	_ =	swait.ge [sflag:s25], $0x1900  }
0x10d: {  	[sflag:s25] =	ssyncset.done $0x0  }
0x10e: {  	[sflag:s25] =	ssyncadd.s32 $0xFFFFE700  }
0x10f: {  	_ =	swait.ge [sflag:s25], $0x1900  }
0x110: {  	[sflag:s25] =	ssyncset.done $0x0  }
0x111: {  	s1 =	simm.s32 @!p2 $0xC;
	[sflag:s25] =	ssyncadd.s32 $0xFFFFE700  }
0x112: {  	[hbm4b:s10+s3] =	stream.linear.scatter [tilespmem:s15], [sflag:$0x9], $0x6400, $0x38;
	[tilespmem:$0x19CC0] =	vst v63  }
0x113: {  	_ =	swait.ge @!p2 [sflag:s1], $0x6400  }
0x114: {  	[sflag:s1] =	ssyncset.done @!p2 $0x0  }
0x115: {  	s8 =	simm.s32 $0x138C0;
	[sflag:s1] =	ssyncadd.s32 @!p2 $0xFFFF9C00  }
0x116: {  	[tilespmem:s8], [sflag:$0xD] =	stream.linear.gather [spmem:s2], $0x6400, $0x38;
	[tilespmem:$0x19CC0] =	vst v63  }
0x117: {  	_ =	swait.ge [sflag:s16], $0x6400  }
0x118: {  	s14 =	rddreg [dreg:$0x4];
	[sflag:s16] =	ssyncset.done $0x0  }
0x119: {  	s31 =	simm.s32 $0xB20;
	[sflag:s16] =	ssyncadd.s32 $0xFFFF9C00;
	s1 =	sadd.s32 s12, s14  }
0x11a: {  	[tilespmem:s31], [sflag:$0x4] =	stream.linear.gather [hbm4b:s1+s3], $0x1A0, $0x38;
	[tilespmem:$0x19CC0] =	vst v63  }
0x11b: {  	_ =	swait.ge [sflag:s29], $0x1A0  }
0x11c: {  	[sflag:s29] =	ssyncset.done $0x0;
	s5 =	rddreg [dreg:$0x13]  }
0x11d: {  	s4 =	rddreg [dreg:$0x15];
	[sflag:s29] =	ssyncadd.s32 $0xFFFFFE60  }
0x11e: {  	[tilespmem:s26], [sflag:$0x7] =	stream.indirect.gather.add.f32 [hbm:s6], $0x40, s28, s21, $0xb8;
	[tilespmem:$0x19CC0] =	vst v63  }
0x11f: {  	s9 =	sadd.s32 $0xD0, s9;
	s8 =	rddreg [dreg:$0x14]  }
0x120: {  	[tilespmem:s8], [sflag:$0x7] =	stream.indirect.gather.add.f32 [hbm:s6], $0x40, s5, s21, $0xb8;
	[tilespmem:$0x19CC0] =	vst v63  }
0x121: {  	p1 =	sne.s32 s9, $0xD00;
	s12 =	rddreg [dreg:$0x16]  }
0x122: {  	[tilespmem:s12], [sflag:$0x7] =	stream.indirect.gather.add.f32 [hbm:s6], $0x40, s4, s21, $0xb8;
	[tilespmem:$0x19CC0] =	vst v63  }
.Ltmp0:
0x123: {  	s31 =	rddreg [dreg:$0x18];
	(pc) =	sbr.rel @p1 .LBB2_2-.Ltmp0, $4  }
0x124: {  	s26 =	rddreg [dreg:$0x17]  }
0x125: {  	[tilespmem:s31], [sflag:$0x7] =	stream.indirect.gather.add.f32 [hbm:s6], $0x40, s26, s21, $0xb8;
	[tilespmem:$0x19CC0] =	vst v63  }
0x126: {  	s13 =	sadd.s32 $0x10, s13;
	_ =	swait.ge [sflag:s30], $0x1900  }
0x127: {  	s10 =	sadd.s32 $0x3200, s10;
	s14 =	simm.s32 $0xD4C0;
	[sflag:s30] =	ssyncset.done $0x0  }
0x128: {  	[sflag:s30] =	ssyncadd.s32 $0xFFFFE700  }
0x129: {  	_ =	swait.ge [sflag:s30], $0x1900  }
0x12a: {  	[sflag:s30] =	ssyncset.done $0x0  }
0x12b: {  	[sflag:s30] =	ssyncadd.s32 $0xFFFFE700  }
0x12c: {  	_ =	swait.ge [sflag:s30], $0x1900  }
0x12d: {  	[sflag:s30] =	ssyncset.done $0x0  }
0x12e: {  	[sflag:s30] =	ssyncadd.s32 $0xFFFFE700  }
0x12f: {  	_ =	swait.ge [sflag:s30], $0x1900  }
0x130: {  	[sflag:s30] =	ssyncset.done $0x0  }
0x131: {  	s1 =	sadd.s32 s0, s7;
	s9 =	simm.s32 $0x4;
	[sflag:s30] =	ssyncadd.s32 $0xFFFFE700  }
0x132: {  	[hbm4b:s1+s3] =	stream.linear.scatter [tilespmem:s18], [sflag:$0xA], $0x6400, $0x38;
	[tilespmem:$0x19CC0] =	vst v63  }
0x133: {  	_ =	swait.ge [sflag:s9], $0x1A0  }
0x134: {  	[sflag:s9] =	ssyncset.done $0x0  }
0x135: {  	s5 =	simm.s32 $0x138C0;
	s10 =	simm.s32 $0xB20;
	[sflag:s9] =	ssyncadd.s32 $0xFFFFFE60  }
0x136: {  	[tilespmem:s5], [sflag:$0x8] =	stream.indirect.gather.add.f32 [hbm:s6], $0x40, s10, s21, $0xb8;
	[tilespmem:$0x19CC0] =	vst v63  }
0x137: {  	s11 =	simm.s32 $0xB88;
	s12 =	simm.s32 $0x151C0  }
0x138: {  	[tilespmem:s12], [sflag:$0x8] =	stream.indirect.gather.add.f32 [hbm:s6], $0x40, s11, s21, $0xb8;
	[tilespmem:$0x19CC0] =	vst v63  }
0x139: {  	s13 =	simm.s32 $0xBF0;
	s26 =	simm.s32 $0x16AC0  }
0x13a: {  	[tilespmem:s26], [sflag:$0x8] =	stream.indirect.gather.add.f32 [hbm:s6], $0x40, s13, s21, $0xb8;
	[tilespmem:$0x19CC0] =	vst v63  }
0x13b: {  	s31 =	simm.s32 $0xC58;
	s4 =	simm.s32 $0x183C0;
	s7 =	simm.s32 $0x7  }
0x13c: {  	[tilespmem:s4], [sflag:$0x8] =	stream.indirect.gather.add.f32 [hbm:s6], $0x40, s31, s21, $0xb8;
	[tilespmem:$0x19CC0] =	vst v63  }
0x13d: {  	_ =	swait.ge [sflag:s7], $0x1900  }
0x13e: {  	[sflag:s7] =	ssyncset.done $0x0  }
0x13f: {  	[sflag:s7] =	ssyncadd.s32 $0xFFFFE700  }
0x140: {  	_ =	swait.ge [sflag:s7], $0x1900  }
0x141: {  	[sflag:s7] =	ssyncset.done $0x0  }
0x142: {  	[sflag:s7] =	ssyncadd.s32 $0xFFFFE700  }
0x143: {  	_ =	swait.ge [sflag:s7], $0x1900  }
0x144: {  	[sflag:s7] =	ssyncset.done $0x0  }
0x145: {  	[sflag:s7] =	ssyncadd.s32 $0xFFFFE700  }
0x146: {  	_ =	swait.ge [sflag:s7], $0x1900  }
0x147: {  	[sflag:s7] =	ssyncset.done $0x0  }
0x148: {  	s9 =	simm.s32 $0x8;
	s8 =	rddreg [dreg:$0x1a];
	[sflag:s7] =	ssyncadd.s32 $0xFFFFE700  }
0x149: {  	[hbm4b:s8+s3] =	stream.linear.scatter [tilespmem:s14], [sflag:$0xB], $0x6400, $0x38;
	[tilespmem:$0x19CC0] =	vst v63  }
0x14a: {  	_ =	swait.ge [sflag:s9], $0x1900  }
0x14b: {  	[sflag:s9] =	ssyncset.done $0x0  }
0x14c: {  	[sflag:s9] =	ssyncadd.s32 $0xFFFFE700  }
0x14d: {  	_ =	swait.ge [sflag:s9], $0x1900  }
0x14e: {  	[sflag:s9] =	ssyncset.done $0x0  }
0x14f: {  	[sflag:s9] =	ssyncadd.s32 $0xFFFFE700  }
0x150: {  	_ =	swait.ge [sflag:s9], $0x1900  }
0x151: {  	[sflag:s9] =	ssyncset.done $0x0  }
0x152: {  	[sflag:s9] =	ssyncadd.s32 $0xFFFFE700  }
0x153: {  	_ =	swait.ge [sflag:s9], $0x1900  }
0x154: {  	[sflag:s9] =	ssyncset.done $0x0  }
0x155: {  	s11 =	simm.s32 $0x9;
	s10 =	rddreg [dreg:$0x1b];
	[sflag:s9] =	ssyncadd.s32 $0xFFFFE700  }
0x156: {  	[hbm4b:s10+s3] =	stream.linear.scatter [tilespmem:s5], [sflag:$0xC], $0x6400, $0x38;
	[tilespmem:$0x19CC0] =	vst v63  }
0x157: {  	_ =	swait.ge [sflag:s11], $0x6400  }
0x158: {  	[sflag:s11] =	ssyncset.done $0x0  }
0x159: {  	s12 =	simm.s32 $0xA;
	[sflag:s11] =	ssyncadd.s32 $0xFFFF9C00  }
0x15a: {  	_ =	swait.ge [sflag:s12], $0x6400  }
0x15b: {  	[sflag:s12] =	ssyncset.done $0x0  }
0x15c: {  	s13 =	simm.s32 $0xB;
	[sflag:s12] =	ssyncadd.s32 $0xFFFF9C00  }
0x15d: {  	_ =	swait.ge [sflag:s13], $0x6400  }
0x15e: {  	[sflag:s13] =	ssyncset.done $0x0  }
0x15f: {  	s14 =	simm.s32 $0xC;
	[sflag:s13] =	ssyncadd.s32 $0xFFFF9C00  }
0x160: {  	_ =	swait.ge [sflag:s14], $0x6400  }
0x161: {  	s26 =	sld [smem:$0x7FC];
	_ =	sdelay $0x2  }
0x162: {  	s31 =	rddreg [dreg:$0x1c];
	s7 =	sadd.s32 $0x1, s26  }
0x163: {  	p1 =	sne.s32 s7, s31  }
.Ltmp1:
0x164: {  	_ = 	snop;
	(pc) =	sbr.rel @p1 .LBB2_1-.Ltmp1, $3  }
0x165: {  	_ =	sdelay $0x1  }
0x166: {  	[sflag:s14] =	ssyncset.done $0x0  }
0x167: {  	s12 =	simm.s32 $0x640;
	s13 =	simm.s32 $0x7E0;
	[sflag:s14] =	ssyncadd.s32 $0xFFFF9C00  }
0x168: {  	_ =	sfence.sel $0x180000  }
0x169: {  	[bflag:$0x0] =	sbarrier.arrive $0xFFFF  }
0x16a: {  	_ =	strace $0x90000047  }
0x16b: {  	[bflag:$0x2] =	sbarrier.arrive $0xFFFF  }
0x16c: {  	s0 =	rddreg [dreg:$0x3]  }
0x16d: {  	s0 =	sadd.s32 @!p0 $0x100000, s0  }
0x16e: {  	[sflag:s0] =	ssyncadd.tile.s32 @!p0 $0x1;
	_ =	shalt  }
.Lfunc_end2:
_tile_overlayer_lowered:
.L_overlay_start_2:
0x16f: {  	(tag) =	ssettag $0x2  }
0x170: {  	s0 =	rddreg [dreg:$0x0];
	s2 =	stileid.u32  }
0x171: {  	s1 =	rddreg [dreg:$0x1];
	p0 =	sne.s32 s2, $0x0  }
0x172: {  	s3 =	rddreg [dreg:$0x2];
	[bflag:$0x3] =	sbarrier.arrive $0xFFFF;
	s2 =	simm.s32 @!p0 $0x1C0D  }
0x173: {  	[timem:s3], [sflag:s2] =	dma.local @!p0 [hbm:s0], s1  }
0x174: {  	s0 =	simm.s32 @!p0 $0xD  }
0x175: {  	_ =	swait.ge @!p0 [sflag:s0], s1  }
0x176: {  	s1 =	ssub.s32 @!p0 $0x0, s1;
	[sflag:s0] =	ssyncset.done @!p0 $0x0  }
0x177: {  	[sflag:s0] =	ssyncadd.s32 @!p0 s1  }
0x178: {  	[bflag:$0x3] =	sbarrier.arrive $0xFFFF  }
0x179: {  	_ =	shalt  }

// kernel: sparse-core-data-format-call.cloned.1.call-start
scs
called_computation_lowered:
.L_overlay_start_0:
0x0: {  	s2 =	sld [smem:$0x3FD9]  }
0x1: {  	s3 =	sld [smem:$0x3FFE];
	_ =	sdelay $0x1  }
0x2: {  	s1 =	srdreg.scid  }
0x3: {  	s0 =	sand.u32 $0x1, s1  }
0x4: {  	s18 =	sshll.u32 s0, $0xA;
	s2 =	sadd.s32 s3, s2  }
0x5: {  	s2 =	sadd.s32 s2, s18  }
0x6: {  	[smem:$0x3FC5] =	sst s2  }
0x7: {  	_ = 	snop  }
0x8: {  	s2 =	sld [smem:$0x3FD0];
	(tm) =	ssettm $0x1  }
0x9: {  	s19 =	sld [smem:$0x3FFB];
	_ =	sdelay $0x3  }
0xa: {  	_ =	strace s19  }
0xb: {  	s3 =	sld [smem:$0x3FFC];
	_ =	sdelay $0x3  }
0xc: {  	_ =	strace s3  }
0xd: {  	s3 =	sld [smem:$0x3FFD];
	_ =	sdelay $0x3  }
0xe: {  	_ =	strace s3  }
0xf: {  	_ =	strace $0x8FFFFFFF  }
0x10: {  	s20 =	sld [smem:$0x3FDB];
	_ =	sdelay $0x1  }
0x11: {  	s4 =	simm.s32 $_scs_section_size  }
0x12: {  	s5 =	simm.s32 $_size__tile_overlayer_lowered;
	s6 =	simm.s32 $_tile_overlayer_lowered  }
0x13: {  	s23 =	simm.s32 $0x1BFF;
	s22 =	sshll.u32 s6, $0x1;
	s3 =	sadd.s32 s4, s20  }
0x14: {  	s7 =	simm.s32 $0x0;
	s21 =	sshll.u32 s5, $0x1;
	s5 =	sadd.s32 s22, s3  }
0x15: {  	[timem:s7], [sflag:s23] =	dma.local [hbm:s5], s21  }
0x16: {  	_ =	swait.ge [sflag:s23], s21  }
0x17: {  	s4 =	ssub.s32 $0x0, s21;
	[sflag:s23] =	ssyncset.done $0x0  }
0x18: {  	[sflag:s23] =	ssyncadd.s32 s4;
	_ =	sdelay $0x1  }
0x19: {  	s24 =	simm.s32 $0x1B8B  }
0x1a: {  	_ =	swait.ge [sflag:s24], $0x1  }
0x1b: {  	[sflag:s24] =	ssyncset.done $0x0  }
0x1c: {  	s26 =	simm.s32 $0x1B8E;
	s25 =	sld [smem:$0x3FFE];
	[sflag:s24] =	ssyncadd.s32 $0xFFFFFFFF  }
0x1d: {  	s27 =	simm.s32 $execute0_lowered;
	[smem:$0x3FD2] =	sst s26  }
0x1e: {  	s5 =	sshll.u32 s27, $0x1;
	_ =	strace $0x80000049;
	[dreg:$0x1] =	wrdreg $0xFFFFFFFF  }
0x1f: {  	s28 =	simm.s32 $_size_execute0_lowered;
	s3 =	sadd.s32 s3, s5;
	[dreg:$0x0] =	wrdreg $0x0  }
0x20: {  	s5 =	sshll.u32 s28, $0x1;
	[dreg:$0x2] =	wrdreg s3  }
0x21: {  	[dreg:$0x3] =	wrdreg s5  }
0x22: {  	[dreg:$0x4] =	wrdreg $0xC0  }
0x23: {  	_ =	task [dreg:s7], $0x5FFFF  }
0x24: {  	[dreg:$0x1] =	wrdreg $0xFFFFFFFF  }
0x25: {  	[dreg:$0x0] =	wrdreg $0x60  }
0x26: {  	[dreg:$0x2] =	wrdreg s25  }
0x27: {  	[dreg:$0x3] =	wrdreg s2  }
0x28: {  	[dreg:$0x4] =	wrdreg $0x9  }
0x29: {  	_ =	task.clear_ibuf [dreg:s7], $0x5FFFF;
	_ =	strace $0x90000049  }
0x2a: {  	s29 =	simm.s32 $0x9;
	_ =	strace $0x8000004B  }
0x2b: {  	_ =	swait.ge [sflag:s29], $0x1  }
0x2c: {  	[sflag:s29] =	ssyncadd.s32 $0xFFFFFFFF  }
0x2d: {  	_ =	strace $0x9000004B  }
0x2e: {  	_ =	sfence  }
0x2f: {  	s30 =	sld [smem:$0x0];
	_ =	sdelay $0x2  }
0x30: {  	s31 =	sshll.u32 s1, $0xD;
	s1 =	sshrl.u32 s1, $0x2  }
0x31: {  	s3 =	sand.u32 $0x4000, s31;
	s1 =	sadd.s32 s1, s30  }
0x32: {  	s0 =	sor.u32 s3, s0;
	s1 =	sshll.u32 s1, $0x11  }
0x33: {  	s0 =	sor.u32 s1, s0  }
0x34: {  	s0 =	sadd.s32 $0x8F2B, s0  }
0x35: {  	[sflag:s0] =	ssyncadd.remote.s32 $0x1  }
0x36: {  	_ =	sfence.sel $0xFFFF  }
0x37: {  	[dreg:$0x0] =	wrdreg $0xFFFFFFFF;
	(pc) =	sbr.abs _section_cstart, $3  }
0x38: {  	[dreg:$0x1] =	wrdreg $0xFFFFFFFF  }
0x39: {  	_ =	task.clear_ibuf [dreg:s7], $0x2FFFF;
	_ =	strace $0x9FFFFFFF  }
0x3a: {  	(tm) =	ssettm $0x7FFFFFFF  }
0x3b: {  	_ =	shalt  }
tec
execute0_lowered:
.L_overlay_start_1:
0x0: {  	(tag) =	ssettag $0x1  }
0x1: {  	s0 =	srdreg.scid  }
0x2: {  	s1 =	sshll.u32 s0, $0x4  }
0x3: {  	s0 =	stileid.u32;
	s1 =	sand.u32 $0x10, s1  }
0x4: {  	s1 =	sor.u32 s0, s1  }
0x5: {  	s6 =	rddreg [dreg:$0x0];
	s4 =	simm.s32 $0x1;
	s2 =	sshll.u32 s1, $0x7  }
0x6: {  	s7 =	simm.s32 $0x2;
	s12 =	simm.s32 $0x0;
	s1 =	ssub.s32 $0x1000, s2  }
0x7: {  	s8 =	simm.s32 $0x8000;
	s13 =	simm.s32 $0x0;
	s3 =	sand.u32 $0xF80, s1  }
0x8: {  	s9 =	simm.s32 $0x0;
	s5 =	sshrl.u32 s1, $0xC;
	p0 =	sne.s32 s3, $0x0  }
.Ltmp0:
0x9: {  	s1 =	rddreg [dreg:$0x2];
	s4 =	simm.s32 @!p0 $0x0;
	(pc) =	sbr.rel .LBB1_1-.Ltmp0, $4  }
0xa: {  	s11 =	simm.s32 $0x0;
	s3 =	rddreg [dreg:$0x1];
	s5 =	sadd.s32 s4, s5  }
0xb: {  	_ =	strace $0x8000004A;
	s4 =	simm.s32 $0x1;
	s5 =	smul.u32 $0xC8, s5  }
0xc: {  	s6 =	sadd.s32 $0xC00, s6;
	s10 =	smov.u32 s2;
	[sflag:s4] =	ssyncpa.u1 $0x0  }
0xd: {  	p0 =	por $0x0, $0x0;
	[sflag:s7] =	ssyncpa.u1 $0x0;
	s7 =	sor.u32 $0x1, s5  }
.LBB1_4:
0xe: {  	s16 =	sshll.u32 s13, $0x3;
	s17 =	sand.u32 $0x78, s13  }
0xf: {  	s30 =	sand.u32 $0x7E00, s13;
	s12 =	sshll.u32 s12, $0xF;
	s16 =	sand.u32 $0xC00, s16  }
0x10: {  	[tilespmem:s15+$0x810 ss:$0x81] =	vst.msk $0xffff, v2;
	s31 =	sand.u32 $0x7, s13;
	s16 =	sor.u32 s17, s16;
	s17 =	sadd.s32 s3, s30  }
0x11: {  	[tilespmem:s15+$0x1020 ss:$0x81] =	vst.msk $0xffff, v0;
	s13 =	sshll.u32 s31, $0x12;
	s12 =	sadd.s32 s12, s17;
	s16 =	sshrl.u32 s16, $0x3  }
0x12: {  	[tilespmem:s15+$0x0 ss:$0x81] =	vst.msk $0xffff, v1;
	s13 =	sor.u32 $0x400, s13;
	s12 =	sadd.s32 s16, s12  }
0x13: {  	[hbm4b:s12+s13] =	stream.strided.scatter [tilespmem:s14], [sflag:$0x2], $0x2000, s8, s13, $0x20;
	[tilespmem:$0x8080] =	vst v63  }
.LBB1_5:
0x14: {  	s14 =	sadd.s32 $0x1, s9  }
0x15: {  	s12 =	sadd.s32 $0x1000, s10;
	s16 =	smov.u32 s10;
	p2 =	sgt.s32 s14, $0xC7  }
0x16: {  	s16 =	smov.u32 @p2 s12  }
0x17: {  	s14 =	simm.s32 @p2 $0x0;
	p2 =	sgt.s32 s16, $0xFFF  }
0x18: {  	s16 =	smov.u32 @p2 s2;
	p2 =	sne.s32 s11, s7  }
.Ltmp1:
0x19: {  	p1 =	slt.u32 s11, $0x2;
	(pc) =	sbr.rel @!p2 .LBB1_6-.Ltmp1, $4  }
0x1a: {  	s15 =	simm.s32 @!p1 $0x2  }
0x1b: {  	s13 =	smov.u32 s10;
	p0 =	por !p0, !p0;
	_ =	swait.ge @!p1 [sflag:s15], $0x2000  }
0x1c: {  	s12 =	smov.u32 s9;
	[sflag:s15] =	ssyncset.done @!p1 $0x0;
	s9 =	smov.u32 s14  }
0x1d: {  	s11 =	sadd.s32 $0x1, s11;
	[sflag:s15] =	ssyncadd.s32 @!p1 $0xFFFFE000;
	s10 =	smov.u32 s16  }
.LBB1_1:
0x1e: {  	p1 =	sge.u32 s11, s5  }
0x1f: {  	s14 =	sand.u32 @!p1 $0x1FFFFFF, s9  }
0x20: {  	s15 =	smulhi.u32 @!p1 $0x147AE15, s14;
	_ =	sdelay $0x1  }
0x21: {  	s15 =	smul.u32 @!p1 $0xC8, s15  }
0x22: {  	s16 =	sxor.u32 @!p1 $0xFFFFFFFF, s11;
	s17 =	smul.u32 @!p1 $0xC80, s10  }
0x23: {  	s31 =	sadd.s32 $0xFFFFFFFF, s11;
	s16 =	sshll.u32 @!p1 s16, $0xD;
	s14 =	ssub.s32 @!p1 s14, s15  }
0x24: {  	s15 =	sand.u32 @!p1 $0x2000, s16;
	s16 =	sadd.s32 @!p1 s6, s17;
	s14 =	sshll.u32 @!p1 s14, $0x4  }
0x25: {  	s17 =	simm.s32 @!p1 $0x6400;
	s14 =	sadd.s32 @!p1 s14, s16;
	s16 =	simm.s32 @!p1 $0x40  }
0x26: {  	[tilespmem:s15], [sflag:$0x1] =	stream.strided.gather @!p1 [hbm4b:s14+s16], $0x2000, s17, s16, $0x38;
	[tilespmem:$0x8080] =	vst v63  }
0x27: {  	p1 =	sge.u32 s31, s5  }
.Ltmp2:
0x28: {  	_ = 	snop;
	(pc) =	sbr.rel @p1 .LBB1_5-.Ltmp2, $1  }
0x29: {  	_ =	sdelay $0x3  }
0x2a: {  	s14 =	simm.s32 $0x1  }
0x2b: {  	_ =	swait.ge [sflag:s4], $0x2000;
	s14 =	simm.s32 @!p0 $0x0  }
0x2c: {  	[sflag:s4] =	ssyncset.done $0x0;
	s15 =	sshll.u32 s14, $0xD  }
0x2d: {  	[sflag:s4] =	ssyncadd.s32 $0xFFFFE000;
	s18 =	sor.u32 $0x20, s15  }
0x2e: {  	s14 =	smul.u32 $0x8100, s14;
	v3 =	vld [tilespmem:s18+$0x10]  }
0x2f: {  	s30 =	sand.u32 $0x1, s11;
	v2 =	vld [tilespmem:s18+$0xFFFFFFF0]  }
0x30: {  	s15 =	smul.u32 $0x8100, s30;
	s14 =	sshrl.u32 s14, $0x2;
	v0 =	vld [tilespmem:s18+$0x0]  }
0x31: {  	v1 =	vld [tilespmem:s18+$0xFFFFFFE0];
	s16 =	sor.u32 $0x4000, s14  }
0x32: {  	s31 =	sshrl.u32 s15, $0x2;
	s15 =	sadd.s32 $0x0, s16  }
0x33: {  	s17 =	simm.s32 $0x4;
	s18 =	sadd.s32 $0x40, s18;
	s14 =	sor.u32 $0x4000, s31;
	[tilespmem:s15+$0x1830 ss:$0x81] =	vst.msk $0xffff, v3  }
.LBB1_3:
0x34: {  	v3 =	vld [tilespmem:s18+$0x10];
	p1 =	sne.s32 s17, $0x1FC;
	[tilespmem:s15+$0x810 ss:$0x81] =	vst.msk $0xffff, v2;
	s19 =	smov.u32 s17;
	s17 =	sadd.s32 $0x4, s17  }
.Ltmp3:
0x35: {  	v2 =	vld [tilespmem:s18+$0xFFFFFFF0];
	[tilespmem:s15+$0x1020 ss:$0x81] =	vst.msk $0xffff, v0;
	(pc) =	sbr.rel @p1 .LBB1_3-.Ltmp3, $4  }
0x36: {  	v0 =	vld [tilespmem:s18+$0x0];
	[tilespmem:s15+$0x0 ss:$0x81] =	vst.msk $0xffff, v1  }
0x37: {  	s15 =	sshra.s32 s19, $0x2;
	v1 =	vld [tilespmem:s18+$0xFFFFFFE0]  }
0x38: {  	s15 =	sadd.s32 s15, s16  }
0x39: {  	s18 =	sadd.s32 $0x40, s18;
	[tilespmem:s15+$0x1830 ss:$0x81] =	vst.msk $0xffff, v3  }
.Ltmp4:
0x3a: {  	_ = 	snop;
	(pc) =	sbr.rel .LBB1_4-.Ltmp4, $1  }
0x3b: {  	_ =	sdelay $0x3  }
.LBB1_6:
0x3c: {  	_ =	sfence.sel $0x180000  }
0x3d: {  	s2 =	simm.s32 $0x1;
	[bflag:$0x0] =	sbarrier.arrive $0xFFFF  }
0x3e: {  	s31 =	simm.s32 $0x2;
	[sflag:s2] =	ssyncpa.u1 $0x1  }
0x3f: {  	[sflag:s31] =	ssyncpa.u1 $0x1  }
0x40: {  	p0 =	sne.s32 s0, $0x0;
	_ =	strace $0x9000004A  }
0x41: {  	s0 =	sadd.s32 @!p0 $0x100000, s1;
	[bflag:$0x2] =	sbarrier.arrive $0xFFFF  }
0x42: {  	[sflag:s0] =	ssyncadd.tile.s32 @!p0 $0x1;
	_ =	shalt  }
.Lfunc_end1:
_tile_overlayer_lowered:
.L_overlay_start_2:
0x43: {  	(tag) =	ssettag $0x2  }
0x44: {  	s0 =	rddreg [dreg:$0x0];
	s2 =	stileid.u32  }
0x45: {  	s1 =	rddreg [dreg:$0x1];
	p0 =	sne.s32 s2, $0x0  }
0x46: {  	s3 =	rddreg [dreg:$0x2];
	[bflag:$0x3] =	sbarrier.arrive $0xFFFF;
	s2 =	simm.s32 @!p0 $0x1C01  }
0x47: {  	[timem:s3], [sflag:s2] =	dma.local @!p0 [hbm:s0], s1  }
0x48: {  	s0 =	simm.s32 @!p0 $0x1  }
0x49: {  	_ =	swait.ge @!p0 [sflag:s0], s1  }
0x4a: {  	s1 =	ssub.s32 @!p0 $0x0, s1;
	[sflag:s0] =	ssyncset.done @!p0 $0x0  }
0x4b: {  	[sflag:s0] =	ssyncadd.s32 @!p0 s1  }
0x4c: {  	[bflag:$0x3] =	sbarrier.arrive $0xFFFF  }
0x4d: {  	_ =	shalt  }

</sc_bundles>
